<compile_context>
chip_gen: v7x
topology: tpu7x:2x2x1
jax: 0.10.2.dev20260603
libtpu: 0.0.44.dev20260713+nightly
codegen_flags: <defaults>
</compile_context>

<pallas_src>
import jax
import jax.numpy as jnp
from jax import lax
from jax.experimental import pallas as pl
from jax.experimental.pallas import tpu as pltpu
from jax.experimental.pallas import tpu_sc as plsc

_N_BITS = 20
_N_OPS = 64
_NUM_SAMPLES = 1048576
_NUM_BINS = 1 << _N_BITS
_NH = 1024
_NL = 1024
_NB = 16


_BLKL = 65536
_HALF = _NUM_SAMPLES // 2
_GRID_H = _HALF // _BLKL


def _codes_body(samples_ref, codes_ref):
    x = samples_ref[...].astype(jnp.bfloat16)
    powers = jnp.exp2(
        lax.broadcasted_iota(jnp.int32, (1, _N_BITS), 1)
        .astype(jnp.float32)).astype(jnp.bfloat16)
    codesf = lax.dot_general(powers, x, (((1,), (0,)), ((), ())),
                             preferred_element_type=jnp.float32)
    codes_ref[...] = jnp.round(codesf.reshape(_BLKL)).astype(jnp.int32)


def _codes_stage(samples_t, off):
    return pl.pallas_call(
        _codes_body,
        grid=(_GRID_H,),
        in_specs=[pl.BlockSpec((_N_BITS, _BLKL), lambda i: (0, i + off))],
        out_specs=pl.BlockSpec((_BLKL,), lambda i: (i,)),
        out_shape=jax.ShapeDtypeStruct((_HALF,), jnp.int32),
    )(samples_t)



_N_TILES = 16
_N_CORES = 2
_PER_TILE = _HALF // (_N_TILES * _N_CORES)
_IDX_ROWS = _PER_TILE // 128
_CHUNK_ROWS = 64
_N_CHUNKS = _IDX_ROWS // _CHUNK_ROWS
_BINS_PER_TILE = _NUM_BINS // _N_TILES
_ZCHUNK = 2048


def _sc_hist_body(codes_hbm, out_hbm, table, idx_v, ones_v, zeros_v):
    cid = lax.axis_index("c")
    sid = lax.axis_index("s")

    def fillz(i, _):
        zeros_v[pl.ds(i * 16, 16)] = jnp.zeros((16,), jnp.int32)
        return 0
    lax.fori_loop(0, _ZCHUNK // 16, fillz, 0)

    def fill1(i, _):
        ones_v[pl.ds(i * 16, 16)] = jnp.ones((16,), jnp.int32)
        return 0
    lax.fori_loop(0, 128 // 16, fill1, 0)

    def zslice(j, _):
        pltpu.sync_copy(
            zeros_v,
            table.at[pl.ds(sid * _BINS_PER_TILE + j * _ZCHUNK, _ZCHUNK)])
        return 0
    lax.fori_loop(0, _BINS_PER_TILE // _ZCHUNK, zslice, 0)
    plsc.subcore_barrier()

    row0 = (cid * _N_TILES + sid) * _IDX_ROWS

    def chunk(c, _):
        pltpu.sync_copy(
            codes_hbm.at[pl.ds(row0 + c * _CHUNK_ROWS, _CHUNK_ROWS)], idx_v)

        def scat(j, _):
            pltpu.sync_copy(ones_v, table.at[idx_v.at[j]], add=True)
            return 0
        lax.fori_loop(0, _CHUNK_ROWS, scat, 0)
        return 0
    lax.fori_loop(0, _N_CHUNKS, chunk, 0)
    plsc.subcore_barrier()

    pltpu.sync_copy(
        table.at[pl.ds(sid * _BINS_PER_TILE, _BINS_PER_TILE)],
        out_hbm.at[pl.ds(cid * _NUM_BINS + sid * _BINS_PER_TILE,
                         _BINS_PER_TILE)])


def _sc_hist(codes):
    k = pl.kernel(
        _sc_hist_body,
        out_type=jax.ShapeDtypeStruct((_N_CORES * _NUM_BINS,), jnp.int32),
        mesh=plsc.VectorSubcoreMesh(core_axis_name="c", subcore_axis_name="s"),
        scratch_types=[
            pltpu.VMEM_SHARED((_NUM_BINS,), jnp.int32),
            pltpu.VMEM((_CHUNK_ROWS, 128), jnp.int32),
            pltpu.VMEM((128,), jnp.int32),
            pltpu.VMEM((_ZCHUNK,), jnp.int32),
        ],
    )
    return k(codes.reshape(_HALF // 128, 128))




_NR = 8192
_NC = 128
_RB = 13
_CB = 7


def _bins_body(pa_ref, pb_ref, mcr_ref, arr_ref, acc_ref, obsr_ref, obsc_ref,
               counts_ref, exp_ref):
    counts = (pa_ref[0, :, :] + pa_ref[1, :, :]
              + pb_ref[0, :, :] + pb_ref[1, :, :])
    counts_ref[...] = counts

    xr = ((lax.broadcasted_iota(jnp.int32, (_NR, _NB), 0)
           >> lax.broadcasted_iota(jnp.int32, (_NR, _NB), 1)) & 1
          ).astype(jnp.float32)
    xc = ((lax.broadcasted_iota(jnp.int32, (_NB, _NC), 1)
           >> lax.broadcasted_iota(jnp.int32, (_NB, _NC), 0)) & 1
          ).astype(jnp.float32)

    dn = (((1,), (0,)), ((), ()))
    f32 = jnp.float32
    g = lax.dot_general(xr, arr_ref[...], dn, preferred_element_type=f32)
    qrow = lax.dot_general(g * xr, jnp.ones((_NB, 1), f32), dn,
                           preferred_element_type=f32)
    b = lax.dot_general(acc_ref[...], xc, dn, preferred_element_type=f32)
    qlane = lax.dot_general(jnp.ones((1, _NB), f32), b * xc, dn,
                            preferred_element_type=f32)
    xm = lax.dot_general(xr, mcr_ref[...], dn, preferred_element_type=f32)
    xmext = jnp.concatenate([xm, qrow, jnp.ones((_NR, 1), f32)], axis=1)
    xcext = jnp.concatenate([xc, jnp.ones((1, _NC), f32), qlane], axis=0)
    t = lax.dot_general(xmext, xcext, dn, preferred_element_type=f32)

    mx = jnp.max(t)
    w = counts.astype(f32) * jnp.exp(t - mx)

    rowsum = lax.dot_general(w, jnp.ones((_NC, 1), f32), dn,
                             preferred_element_type=f32)
    colsum = lax.dot_general(jnp.ones((1, _NR), f32), w, dn,
                             preferred_element_type=f32)
    s = jnp.sum(rowsum)
    vr = lax.dot_general(rowsum, xr, (((0,), (0,)), ((), ())),
                         preferred_element_type=f32)
    vc = lax.dot_general(colsum, xc, (((1,), (1,)), ((), ())),
                         preferred_element_type=f32)

    zr = 1.0 - 2.0 * vr / s
    zc = 1.0 - 2.0 * vc / s
    dnr = (((1,), (1,)), ((), ()))
    er = lax.dot_general(obsr_ref[...], zr, dnr,
                         preferred_element_type=f32)
    ec = lax.dot_general(obsc_ref[...], zc, dnr, preferred_element_type=f32)
    exp_ref[...] = er + ec


def _bins_stage(pa, pb, mcr, arr, acc, obsr, obsc):
    return pl.pallas_call(
        _bins_body,
        grid=(1,),
        in_specs=[
            pl.BlockSpec((_N_CORES, _NR, _NC), lambda i: (0, 0, 0)),
            pl.BlockSpec((_N_CORES, _NR, _NC), lambda i: (0, 0, 0)),
            pl.BlockSpec((_NB, _NB), lambda i: (0, 0)),
            pl.BlockSpec((_NB, _NB), lambda i: (0, 0)),
            pl.BlockSpec((_NB, _NB), lambda i: (0, 0)),
            pl.BlockSpec((_N_OPS, _NB), lambda i: (0, 0)),
            pl.BlockSpec((_N_OPS, _NB), lambda i: (0, 0)),
        ],
        out_specs=[
            pl.BlockSpec((_NR, _NC), lambda i: (0, 0)),
            pl.BlockSpec((_N_OPS, 1), lambda i: (0, 0)),
        ],
        out_shape=[
            jax.ShapeDtypeStruct((_NR, _NC), jnp.int32),
            jax.ShapeDtypeStruct((_N_OPS, 1), jnp.float32),
        ],
    )(pa, pb, mcr, arr, acc, obsr, obsc)


def kernel(samples, theta, kernel, observables):
    samples_t = samples.T
    codes_a = _codes_stage(samples_t, 0)
    codes_b = _codes_stage(samples_t, _GRID_H)
    pa = _sc_hist(codes_a)
    pb = _sc_hist(codes_b)

    a = kernel + jnp.diag(theta)
    nb, cb = _NB, _CB
    mcr = jnp.zeros((nb, nb), jnp.float32).at[:_RB, :cb].set(
        a[cb:, :cb] + a[:cb, cb:].T)
    arr = jnp.zeros((nb, nb), jnp.float32).at[:_RB, :_RB].set(a[cb:, cb:])
    acc = jnp.zeros((nb, nb), jnp.float32).at[:cb, :cb].set(a[:cb, :cb])
    obsr = jnp.zeros((_N_OPS, nb), jnp.float32).at[:, :_RB].set(
        observables[:, cb:])
    obsc = jnp.zeros((_N_OPS, nb), jnp.float32).at[:, :cb].set(
        observables[:, :cb])

    counts2d, exps = _bins_stage(pa.reshape(_N_CORES, _NR, _NC),
                                 pb.reshape(_N_CORES, _NR, _NC),
                                 mcr, arr, acc, obsr, obsc)
    return counts2d.reshape(_NUM_BINS), exps.reshape(_N_OPS)

# --- scband reference (transcript-rebuilt; emitter-appended) ---
"""Pipeline reference for scband-qhbm-78752520339743 (READ-ONLY COPY).

The authoritative reference and input builder live on the scoring server;
editing this copy changes nothing except your own understanding.
"""

import jax, jax.numpy as jnp
import numpy as np

N_BITS = 20
N_OPS = 64
NUM_SAMPLES = 1048576


def setup_inputs(seed: int = 0) -> dict:
    key = jax.random.key(seed)
    k1, k2, k3, k4 = jax.random.split(key, 4)
    samples = jax.random.randint(k1, (NUM_SAMPLES, N_BITS), 0, 2, dtype=jnp.int32)
    theta = 0.05 * jax.random.normal(k2, (N_BITS,), dtype=jnp.float32)
    kernel = 0.05 * jax.random.normal(k3, (N_BITS, N_BITS), dtype=jnp.float32)
    observables = jax.random.normal(k4, (N_OPS, N_BITS), dtype=jnp.float32)
    return {"samples": samples, "theta": theta, "kernel": kernel, "observables": observables}


def reference(samples, theta, kernel, observables):
    # QHBM.circuits: histogram the sampled bitstrings (unique_bitstrings_with_counts).
    # Encode each n-bit string as an integer code, then bincount over 2^n bins.
    powers = (2 ** jnp.arange(N_BITS, dtype=jnp.int32))
    codes = jnp.sum(samples * powers[None, :], axis=1)
    counts = jnp.bincount(codes, length=2 ** N_BITS)

    # QHBM.expectation: Boltzmann-weighted average of per-eigenstate observable
    # expectation values. Energy K_theta(x) = -x.theta - x^T W x (fully-visible
    # Boltzmann machine modular Hamiltonian); weights p(x) = softmax(-K_theta(x))
    # over the drawn ensemble.
    x = samples.astype(jnp.float32)
    linear = x @ theta
    quad = jnp.sum((x @ kernel) * x, axis=1)
    energies = -(linear + quad)
    weights = jax.nn.softmax(-energies)
    # Computational-basis Pauli-Z eigenvalues: z_i = 1 - 2 x_i
    z = 1.0 - 2.0 * x
    vals = z @ observables.T  # [num_samples, n_ops]
    expectations = weights @ vals  # [n_ops]
    return counts, expectations

if __name__ == "__main__":
    import jax
    _d = setup_inputs()
    print(jax.jit(kernel)(*tuple(_d.values())))

</pallas_src>

<mosaic_0001>
#map = affine_map<(d0, d1) -> (0, 0)>
#map1 = affine_map<(d0, d1) -> (0)>
module attributes {stable_mosaic.version = 14 : i64} {
  func.func @_sc_hist_body(%arg0: i32, %arg1: i32, %arg2: memref<4096x128xi32, #tpu.memory_space<hbm>>, %arg3: memref<2097152xi32, #tpu.memory_space<hbm>>, %arg4: memref<1048576xi32, #tpu.memory_space<vmem_shared>>, %arg5: memref<64x128xi32, #tpu.memory_space<vmem>>, %arg6: memref<128xi32, #tpu.memory_space<vmem>>, %arg7: memref<2048xi32, #tpu.memory_space<vmem>>) attributes {dimension_semantics = [#tpu.dimension_semantics<core_parallel>, #tpu.dimension_semantics<subcore_parallel>], iteration_bounds = array<i64: 2, 16>, scalar_prefetch = 0 : i64, scratch_operands = 4 : i64, tpu.core_type = #tpu.core_type<sc_vector_subcore>, window_params = [{transform_indices = #map}, {transform_indices = #map1}]} {
    %scan3A = arith.constant 0 : i32
    %scan3A_0 = arith.constant 0 : i32
    %scan3A_1 = arith.constant 128 : i32
    %scan3A_2 = arith.addi %scan3A_0, %scan3A_1 : i32
    %scan3A_3 = arith.constant 1 : i32
    %scan3A_4 = scf.for %scan3A_38 = %scan3A_0 to %scan3A_2 step %scan3A_3 iter_args(%scan3A_39 = %scan3A) -> (i32)  : i32 {
      %broadcast_in_dim3A = arith.constant 0 : i32
      %broadcast_in_dim3A_40 = vector.broadcast %broadcast_in_dim3A : i32 to vector<16xi32>
      %mul3A_41 = arith.constant 16 : i32
      %mul3A_42 = arith.muli %scan3A_38, %mul3A_41 : i32
      %swap3A = arith.index_cast %mul3A_42 : i32 to index
      %swap3A_43 = tpu.vector_load %arg7[%swap3A] {strides = array<i32>} : memref<2048xi32, #tpu.memory_space<vmem>>, vector<16xi32>,
      %swap3A_44 = vector.shape_cast %swap3A_43 : vector<16xi32> to vector<16xi32>
      %swap3A_45 = vector.shape_cast %broadcast_in_dim3A_40 : vector<16xi32> to vector<16xi32>
      tpu.vector_store %arg7[%swap3A], %swap3A_45 {strides = array<i32>} : memref<2048xi32, #tpu.memory_space<vmem>>, vector<16xi32>,
      %scan3A_46 = arith.constant 0 : i32
      scf.yield %scan3A_46 : i32
    }
    %scan3A_5 = arith.constant 128 : i32
    %scan3A_6 = arith.constant 0 : i32
    %scan3A_7 = arith.constant 0 : i32
    %scan3A_8 = arith.constant 8 : i32
    %scan3A_9 = arith.addi %scan3A_7, %scan3A_8 : i32
    %scan3A_10 = arith.constant 1 : i32
    %scan3A_11 = scf.for %scan3A_38 = %scan3A_7 to %scan3A_9 step %scan3A_10 iter_args(%scan3A_39 = %scan3A_6) -> (i32)  : i32 {
      %broadcast_in_dim3A = arith.constant 1 : i32
      %broadcast_in_dim3A_40 = vector.broadcast %broadcast_in_dim3A : i32 to vector<16xi32>
      %mul3A_41 = arith.constant 16 : i32
      %mul3A_42 = arith.muli %scan3A_38, %mul3A_41 : i32
      %swap3A = arith.index_cast %mul3A_42 : i32 to index
      %swap3A_43 = tpu.vector_load %arg6[%swap3A] {strides = array<i32>} : memref<128xi32, #tpu.memory_space<vmem>>, vector<16xi32>,
      %swap3A_44 = vector.shape_cast %swap3A_43 : vector<16xi32> to vector<16xi32>
      %swap3A_45 = vector.shape_cast %broadcast_in_dim3A_40 : vector<16xi32> to vector<16xi32>
      tpu.vector_store %arg6[%swap3A], %swap3A_45 {strides = array<i32>} : memref<128xi32, #tpu.memory_space<vmem>>, vector<16xi32>,
      %scan3A_46 = arith.constant 0 : i32
      scf.yield %scan3A_46 : i32
    }
    %scan3A_12 = arith.constant 8 : i32
    %scan3A_13 = arith.constant 0 : i32
    %scan3A_14 = arith.constant 0 : i32
    %scan3A_15 = arith.constant 32 : i32
    %scan3A_16 = arith.addi %scan3A_14, %scan3A_15 : i32
    %scan3A_17 = arith.constant 1 : i32
    %scan3A_18 = scf.for %scan3A_38 = %scan3A_14 to %scan3A_16 step %scan3A_17 iter_args(%scan3A_39 = %scan3A_13) -> (i32)  : i32 {
      %mul3A_40 = arith.constant 65536 : i32
      %mul3A_41 = arith.muli %arg1, %mul3A_40 : i32
      %mul3A_42 = arith.constant 2048 : i32
      %mul3A_43 = arith.muli %scan3A_38, %mul3A_42 : i32
      %add3A_44 = arith.addi %mul3A_41, %mul3A_43 : i32
      "tpu.region"() ({
        %run_scoped3A = tpu.sem_alloc : memref<!tpu.dma_semaphore, #tpu.memory_space<semaphore_mem>>
        %dma_start3A = tpu.memref_slice %arg4[%add3A_44] : memref<1048576xi32, #tpu.memory_space<vmem_shared>> -> memref<2048xi32, #tpu.memory_space<vmem_shared>>
        %dma_start3A_46 = tpu.memref_slice %arg4[%add3A_44] : memref<1048576xi32, #tpu.memory_space<vmem_shared>> -> memref<2048xi32, #tpu.memory_space<vmem_shared>>
        tpu.enqueue_dma source(%arg7 : memref<2048xi32, #tpu.memory_space<vmem>>) target(%dma_start3A_46 : memref<2048xi32, #tpu.memory_space<vmem_shared>>) target_semaphore(%run_scoped3A : memref<!tpu.dma_semaphore, #tpu.memory_space<semaphore_mem>>)
        %dma_wait3A = tpu.memref_slice %arg4[%add3A_44] : memref<1048576xi32, #tpu.memory_space<vmem_shared>> -> memref<2048xi32, #tpu.memory_space<vmem_shared>>
        %dma_wait3A_47 = tpu.memref_slice %arg4[%add3A_44] : memref<1048576xi32, #tpu.memory_space<vmem_shared>> -> memref<2048xi32, #tpu.memory_space<vmem_shared>>
        tpu.wait_dma2 semaphore(%run_scoped3A : memref<!tpu.dma_semaphore, #tpu.memory_space<semaphore_mem>>) src(%arg7 : memref<2048xi32, #tpu.memory_space<vmem>>) dst(%dma_wait3A_47 : memref<2048xi32, #tpu.memory_space<vmem_shared>>)
        tpu.yield
      }) : () -> ()
      %scan3A_45 = arith.constant 0 : i32
      scf.yield %scan3A_45 : i32
    }
    %scan3A_19 = arith.constant 32 : i32
    %barrier3A = arith.constant 0 : index
    tpu.barrier barrier_id(%barrier3A)
    %mul3A = arith.constant 16 : i32
    %mul3A_20 = arith.muli %arg0, %mul3A : i32
    %add3A = arith.addi %mul3A_20, %arg1 : i32
    %mul3A_21 = arith.constant 128 : i32
    %mul3A_22 = arith.muli %add3A, %mul3A_21 : i32
    %scan3A_23 = arith.constant 0 : i32
    %scan3A_24 = arith.constant 0 : i32
    %scan3A_25 = arith.constant 2 : i32
    %scan3A_26 = arith.addi %scan3A_24, %scan3A_25 : i32
    %scan3A_27 = arith.constant 1 : i32
    %scan3A_28 = scf.for %scan3A_38 = %scan3A_24 to %scan3A_26 step %scan3A_27 iter_args(%scan3A_39 = %scan3A_23) -> (i32)  : i32 {
      %mul3A_40 = arith.constant 64 : i32
      %mul3A_41 = arith.muli %scan3A_38, %mul3A_40 : i32
      %add3A_42 = arith.addi %mul3A_22, %mul3A_41 : i32
      "tpu.region"() ({
        %run_scoped3A = tpu.sem_alloc : memref<!tpu.dma_semaphore, #tpu.memory_space<semaphore_mem>>
        %dma_start3A = arith.constant 0 : i32
        %dma_start3A_51 = tpu.memref_slice %arg2[%add3A_42, %dma_start3A] : memref<4096x128xi32, #tpu.memory_space<hbm>> -> memref<64x128xi32, #tpu.memory_space<hbm>>
        %dma_start3A_52 = arith.constant 0 : i32
        %dma_start3A_53 = tpu.memref_slice %arg2[%add3A_42, %dma_start3A_52] : memref<4096x128xi32, #tpu.memory_space<hbm>> -> memref<64x128xi32, #tpu.memory_space<hbm>>
        tpu.enqueue_dma source(%dma_start3A_53 : memref<64x128xi32, #tpu.memory_space<hbm>>) target(%arg5 : memref<64x128xi32, #tpu.memory_space<vmem>>) target_semaphore(%run_scoped3A : memref<!tpu.dma_semaphore, #tpu.memory_space<semaphore_mem>>)
        %dma_wait3A = arith.constant 0 : i32
        %dma_wait3A_54 = tpu.memref_slice %arg2[%add3A_42, %dma_wait3A] : memref<4096x128xi32, #tpu.memory_space<hbm>> -> memref<64x128xi32, #tpu.memory_space<hbm>>
        %dma_wait3A_55 = arith.constant 0 : i32
        %dma_wait3A_56 = tpu.memref_slice %arg2[%add3A_42, %dma_wait3A_55] : memref<4096x128xi32, #tpu.memory_space<hbm>> -> memref<64x128xi32, #tpu.memory_space<hbm>>
        tpu.wait_dma2 semaphore(%run_scoped3A : memref<!tpu.dma_semaphore, #tpu.memory_space<semaphore_mem>>) src(%dma_wait3A_56 : memref<64x128xi32, #tpu.memory_space<hbm>>) dst(%arg5 : memref<64x128xi32, #tpu.memory_space<vmem>>)
        tpu.yield
      }) : () -> ()
      %scan3A_43 = arith.constant 0 : i32
      %scan3A_44 = arith.constant 0 : i32
      %scan3A_45 = arith.constant 64 : i32
      %scan3A_46 = arith.addi %scan3A_44, %scan3A_45 : i32
      %scan3A_47 = arith.constant 1 : i32
      %scan3A_48 = scf.for %scan3A_51 = %scan3A_44 to %scan3A_46 step %scan3A_47 iter_args(%scan3A_52 = %scan3A_43) -> (i32)  : i32 {
        "tpu.region"() ({
          %run_scoped3A = tpu.sem_alloc : memref<!tpu.dma_semaphore, #tpu.memory_space<semaphore_mem>>
          %dma_start3A = arith.constant 0 : i32
          %dma_start3A_54 = tpu.memref_slice %arg5[%scan3A_51, %dma_start3A] : memref<64x128xi32, #tpu.memory_space<vmem>> -> memref<1x128xi32, #tpu.memory_space<vmem>>
          %dma_start3A_55 = tpu.memref_squeeze %dma_start3A_54 : memref<1x128xi32, #tpu.memory_space<vmem>> -> memref<128xi32, #tpu.memory_space<vmem>>
          %dma_start3A_56 = arith.constant 0 : i32
          %dma_start3A_57 = tpu.memref_slice %arg4[%dma_start3A_56] : memref<1048576xi32, #tpu.memory_space<vmem_shared>> -> memref<1048576xi32, #tpu.memory_space<vmem_shared>>
          tpu.enqueue_indirect_dma source(%arg6 : memref<128xi32, #tpu.memory_space<vmem>>) target(%dma_start3A_57 : memref<1048576xi32, #tpu.memory_space<vmem_shared>>) offsets(%dma_start3A_55 : memref<128xi32, #tpu.memory_space<vmem>>) semaphore(%run_scoped3A : memref<!tpu.dma_semaphore, #tpu.memory_space<semaphore_mem>>) {add = true}
          %dma_wait3A = arith.constant 0 : i32
          %dma_wait3A_58 = tpu.memref_slice %arg5[%scan3A_51, %dma_wait3A] : memref<64x128xi32, #tpu.memory_space<vmem>> -> memref<1x128xi32, #tpu.memory_space<vmem>>
          %dma_wait3A_59 = tpu.memref_squeeze %dma_wait3A_58 : memref<1x128xi32, #tpu.memory_space<vmem>> -> memref<128xi32, #tpu.memory_space<vmem>>
          %dma_wait3A_60 = arith.constant 0 : i32
          %dma_wait3A_61 = tpu.memref_slice %arg4[%dma_wait3A_60] : memref<1048576xi32, #tpu.memory_space<vmem_shared>> -> memref<1048576xi32, #tpu.memory_space<vmem_shared>>
          tpu.wait_indirect_dma semaphore(%run_scoped3A : memref<!tpu.dma_semaphore, #tpu.memory_space<semaphore_mem>>) src(%arg6 : memref<128xi32, #tpu.memory_space<vmem>>) dst(%dma_wait3A_61 : memref<1048576xi32, #tpu.memory_space<vmem_shared>>)
          tpu.yield
        }) : () -> ()
        %scan3A_53 = arith.constant 0 : i32
        scf.yield %scan3A_53 : i32
      }
      %scan3A_49 = arith.constant 64 : i32
      %scan3A_50 = arith.constant 0 : i32
      scf.yield %scan3A_50 : i32
    }
    %scan3A_29 = arith.constant 2 : i32
    %barrier3A_30 = arith.constant 0 : index
    tpu.barrier barrier_id(%barrier3A_30)
    %mul3A_31 = arith.constant 65536 : i32
    %mul3A_32 = arith.muli %arg1, %mul3A_31 : i32
    %mul3A_33 = arith.constant 1048576 : i32
    %mul3A_34 = arith.muli %arg0, %mul3A_33 : i32
    %mul3A_35 = arith.constant 65536 : i32
    %mul3A_36 = arith.muli %arg1, %mul3A_35 : i32
    %add3A_37 = arith.addi %mul3A_34, %mul3A_36 : i32
    "tpu.region"() ({
      %run_scoped3A = tpu.sem_alloc : memref<!tpu.dma_semaphore, #tpu.memory_space<semaphore_mem>>
      %dma_start3A = tpu.memref_slice %arg3[%add3A_37] : memref<2097152xi32, #tpu.memory_space<hbm>> -> memref<65536xi32, #tpu.memory_space<hbm>>
      %dma_start3A_38 = tpu.memref_slice %arg4[%mul3A_32] : memref<1048576xi32, #tpu.memory_space<vmem_shared>> -> memref<65536xi32, #tpu.memory_space<vmem_shared>>
      tpu.enqueue_dma source(%dma_start3A_38 : memref<65536xi32, #tpu.memory_space<vmem_shared>>) target(%dma_start3A : memref<65536xi32, #tpu.memory_space<hbm>>) target_semaphore(%run_scoped3A : memref<!tpu.dma_semaphore, #tpu.memory_space<semaphore_mem>>)
      %dma_wait3A = tpu.memref_slice %arg3[%add3A_37] : memref<2097152xi32, #tpu.memory_space<hbm>> -> memref<65536xi32, #tpu.memory_space<hbm>>
      %dma_wait3A_39 = tpu.memref_slice %arg4[%mul3A_32] : memref<1048576xi32, #tpu.memory_space<vmem_shared>> -> memref<65536xi32, #tpu.memory_space<vmem_shared>>
      tpu.wait_dma2 semaphore(%run_scoped3A : memref<!tpu.dma_semaphore, #tpu.memory_space<semaphore_mem>>) src(%dma_wait3A_39 : memref<65536xi32, #tpu.memory_space<vmem_shared>>) dst(%dma_wait3A : memref<65536xi32, #tpu.memory_space<hbm>>)
      tpu.yield
    }) : () -> ()
    return
  }
}

#map = affine_map<(d0, d1) -> (0, 0)>
#map1 = affine_map<(d0, d1) -> (0)>
module attributes {stable_mosaic.version = 14 : i64} {
  func.func @_sc_hist_body(%arg0: i32, %arg1: i32, %arg2: memref<4096x128xi32, #tpu.memory_space<hbm>>, %arg3: memref<2097152xi32, #tpu.memory_space<hbm>>, %arg4: memref<1048576xi32, #tpu.memory_space<vmem_shared>>, %arg5: memref<64x128xi32, #tpu.memory_space<vmem>>, %arg6: memref<128xi32, #tpu.memory_space<vmem>>, %arg7: memref<2048xi32, #tpu.memory_space<vmem>>) attributes {dimension_semantics = [#tpu.dimension_semantics<core_parallel>, #tpu.dimension_semantics<subcore_parallel>], iteration_bounds = array<i64: 2, 16>, scalar_prefetch = 0 : i64, scratch_operands = 4 : i64, tpu.core_type = #tpu.core_type<sc_vector_subcore>, window_params = [{transform_indices = #map}, {transform_indices = #map1}]} {
    %scan3A = arith.constant 0 : i32
    %scan3A_0 = arith.constant 0 : i32
    %scan3A_1 = arith.constant 128 : i32
    %scan3A_2 = arith.addi %scan3A_0, %scan3A_1 : i32
    %scan3A_3 = arith.constant 1 : i32
    %scan3A_4 = scf.for %scan3A_38 = %scan3A_0 to %scan3A_2 step %scan3A_3 iter_args(%scan3A_39 = %scan3A) -> (i32)  : i32 {
      %broadcast_in_dim3A = arith.constant 0 : i32
      %broadcast_in_dim3A_40 = vector.broadcast %broadcast_in_dim3A : i32 to vector<16xi32>
      %mul3A_41 = arith.constant 16 : i32
      %mul3A_42 = arith.muli %scan3A_38, %mul3A_41 : i32
      %swap3A = arith.index_cast %mul3A_42 : i32 to index
      %swap3A_43 = tpu.vector_load %arg7[%swap3A] {strides = array<i32>} : memref<2048xi32, #tpu.memory_space<vmem>>, vector<16xi32>,
      %swap3A_44 = vector.shape_cast %swap3A_43 : vector<16xi32> to vector<16xi32>
      %swap3A_45 = vector.shape_cast %broadcast_in_dim3A_40 : vector<16xi32> to vector<16xi32>
      tpu.vector_store %arg7[%swap3A], %swap3A_45 {strides = array<i32>} : memref<2048xi32, #tpu.memory_space<vmem>>, vector<16xi32>,
      %scan3A_46 = arith.constant 0 : i32
      scf.yield %scan3A_46 : i32
    }
    %scan3A_5 = arith.constant 128 : i32
    %scan3A_6 = arith.constant 0 : i32
    %scan3A_7 = arith.constant 0 : i32
    %scan3A_8 = arith.constant 8 : i32
    %scan3A_9 = arith.addi %scan3A_7, %scan3A_8 : i32
    %scan3A_10 = arith.constant 1 : i32
    %scan3A_11 = scf.for %scan3A_38 = %scan3A_7 to %scan3A_9 step %scan3A_10 iter_args(%scan3A_39 = %scan3A_6) -> (i32)  : i32 {
      %broadcast_in_dim3A = arith.constant 1 : i32
      %broadcast_in_dim3A_40 = vector.broadcast %broadcast_in_dim3A : i32 to vector<16xi32>
      %mul3A_41 = arith.constant 16 : i32
      %mul3A_42 = arith.muli %scan3A_38, %mul3A_41 : i32
      %swap3A = arith.index_cast %mul3A_42 : i32 to index
      %swap3A_43 = tpu.vector_load %arg6[%swap3A] {strides = array<i32>} : memref<128xi32, #tpu.memory_space<vmem>>, vector<16xi32>,
      %swap3A_44 = vector.shape_cast %swap3A_43 : vector<16xi32> to vector<16xi32>
      %swap3A_45 = vector.shape_cast %broadcast_in_dim3A_40 : vector<16xi32> to vector<16xi32>
      tpu.vector_store %arg6[%swap3A], %swap3A_45 {strides = array<i32>} : memref<128xi32, #tpu.memory_space<vmem>>, vector<16xi32>,
      %scan3A_46 = arith.constant 0 : i32
      scf.yield %scan3A_46 : i32
    }
    %scan3A_12 = arith.constant 8 : i32
    %scan3A_13 = arith.constant 0 : i32
    %scan3A_14 = arith.constant 0 : i32
    %scan3A_15 = arith.constant 32 : i32
    %scan3A_16 = arith.addi %scan3A_14, %scan3A_15 : i32
    %scan3A_17 = arith.constant 1 : i32
    %scan3A_18 = scf.for %scan3A_38 = %scan3A_14 to %scan3A_16 step %scan3A_17 iter_args(%scan3A_39 = %scan3A_13) -> (i32)  : i32 {
      %mul3A_40 = arith.constant 65536 : i32
      %mul3A_41 = arith.muli %arg1, %mul3A_40 : i32
      %mul3A_42 = arith.constant 2048 : i32
      %mul3A_43 = arith.muli %scan3A_38, %mul3A_42 : i32
      %add3A_44 = arith.addi %mul3A_41, %mul3A_43 : i32
      "tpu.region"() ({
        %run_scoped3A = tpu.sem_alloc : memref<!tpu.dma_semaphore, #tpu.memory_space<semaphore_mem>>
        %dma_start3A = tpu.memref_slice %arg4[%add3A_44] : memref<1048576xi32, #tpu.memory_space<vmem_shared>> -> memref<2048xi32, #tpu.memory_space<vmem_shared>>
        %dma_start3A_46 = tpu.memref_slice %arg4[%add3A_44] : memref<1048576xi32, #tpu.memory_space<vmem_shared>> -> memref<2048xi32, #tpu.memory_space<vmem_shared>>
        tpu.enqueue_dma source(%arg7 : memref<2048xi32, #tpu.memory_space<vmem>>) target(%dma_start3A_46 : memref<2048xi32, #tpu.memory_space<vmem_shared>>) target_semaphore(%run_scoped3A : memref<!tpu.dma_semaphore, #tpu.memory_space<semaphore_mem>>)
        %dma_wait3A = tpu.memref_slice %arg4[%add3A_44] : memref<1048576xi32, #tpu.memory_space<vmem_shared>> -> memref<2048xi32, #tpu.memory_space<vmem_shared>>
        %dma_wait3A_47 = tpu.memref_slice %arg4[%add3A_44] : memref<1048576xi32, #tpu.memory_space<vmem_shared>> -> memref<2048xi32, #tpu.memory_space<vmem_shared>>
        tpu.wait_dma2 semaphore(%run_scoped3A : memref<!tpu.dma_semaphore, #tpu.memory_space<semaphore_mem>>) src(%arg7 : memref<2048xi32, #tpu.memory_space<vmem>>) dst(%dma_wait3A_47 : memref<2048xi32, #tpu.memory_space<vmem_shared>>)
        tpu.yield
      }) : () -> ()
      %scan3A_45 = arith.constant 0 : i32
      scf.yield %scan3A_45 : i32
    }
    %scan3A_19 = arith.constant 32 : i32
    %barrier3A = arith.constant 0 : index
    tpu.barrier barrier_id(%barrier3A)
    %mul3A = arith.constant 16 : i32
    %mul3A_20 = arith.muli %arg0, %mul3A : i32
    %add3A = arith.addi %mul3A_20, %arg1 : i32
    %mul3A_21 = arith.constant 128 : i32
    %mul3A_22 = arith.muli %add3A, %mul3A_21 : i32
    %scan3A_23 = arith.constant 0 : i32
    %scan3A_24 = arith.constant 0 : i32
    %scan3A_25 = arith.constant 2 : i32
    %scan3A_26 = arith.addi %scan3A_24, %scan3A_25 : i32
    %scan3A_27 = arith.constant 1 : i32
    %scan3A_28 = scf.for %scan3A_38 = %scan3A_24 to %scan3A_26 step %scan3A_27 iter_args(%scan3A_39 = %scan3A_23) -> (i32)  : i32 {
      %mul3A_40 = arith.constant 64 : i32
      %mul3A_41 = arith.muli %scan3A_38, %mul3A_40 : i32
      %add3A_42 = arith.addi %mul3A_22, %mul3A_41 : i32
      "tpu.region"() ({
        %run_scoped3A = tpu.sem_alloc : memref<!tpu.dma_semaphore, #tpu.memory_space<semaphore_mem>>
        %dma_start3A = arith.constant 0 : i32
        %dma_start3A_51 = tpu.memref_slice %arg2[%add3A_42, %dma_start3A] : memref<4096x128xi32, #tpu.memory_space<hbm>> -> memref<64x128xi32, #tpu.memory_space<hbm>>
        %dma_start3A_52 = arith.constant 0 : i32
        %dma_start3A_53 = tpu.memref_slice %arg2[%add3A_42, %dma_start3A_52] : memref<4096x128xi32, #tpu.memory_space<hbm>> -> memref<64x128xi32, #tpu.memory_space<hbm>>
        tpu.enqueue_dma source(%dma_start3A_53 : memref<64x128xi32, #tpu.memory_space<hbm>>) target(%arg5 : memref<64x128xi32, #tpu.memory_space<vmem>>) target_semaphore(%run_scoped3A : memref<!tpu.dma_semaphore, #tpu.memory_space<semaphore_mem>>)
        %dma_wait3A = arith.constant 0 : i32
        %dma_wait3A_54 = tpu.memref_slice %arg2[%add3A_42, %dma_wait3A] : memref<4096x128xi32, #tpu.memory_space<hbm>> -> memref<64x128xi32, #tpu.memory_space<hbm>>
        %dma_wait3A_55 = arith.constant 0 : i32
        %dma_wait3A_56 = tpu.memref_slice %arg2[%add3A_42, %dma_wait3A_55] : memref<4096x128xi32, #tpu.memory_space<hbm>> -> memref<64x128xi32, #tpu.memory_space<hbm>>
        tpu.wait_dma2 semaphore(%run_scoped3A : memref<!tpu.dma_semaphore, #tpu.memory_space<semaphore_mem>>) src(%dma_wait3A_56 : memref<64x128xi32, #tpu.memory_space<hbm>>) dst(%arg5 : memref<64x128xi32, #tpu.memory_space<vmem>>)
        tpu.yield
      }) : () -> ()
      %scan3A_43 = arith.constant 0 : i32
      %scan3A_44 = arith.constant 0 : i32
      %scan3A_45 = arith.constant 64 : i32
      %scan3A_46 = arith.addi %scan3A_44, %scan3A_45 : i32
      %scan3A_47 = arith.constant 1 : i32
      %scan3A_48 = scf.for %scan3A_51 = %scan3A_44 to %scan3A_46 step %scan3A_47 iter_args(%scan3A_52 = %scan3A_43) -> (i32)  : i32 {
        "tpu.region"() ({
          %run_scoped3A = tpu.sem_alloc : memref<!tpu.dma_semaphore, #tpu.memory_space<semaphore_mem>>
          %dma_start3A = arith.constant 0 : i32
          %dma_start3A_54 = tpu.memref_slice %arg5[%scan3A_51, %dma_start3A] : memref<64x128xi32, #tpu.memory_space<vmem>> -> memref<1x128xi32, #tpu.memory_space<vmem>>
          %dma_start3A_55 = tpu.memref_squeeze %dma_start3A_54 : memref<1x128xi32, #tpu.memory_space<vmem>> -> memref<128xi32, #tpu.memory_space<vmem>>
          %dma_start3A_56 = arith.constant 0 : i32
          %dma_start3A_57 = tpu.memref_slice %arg4[%dma_start3A_56] : memref<1048576xi32, #tpu.memory_space<vmem_shared>> -> memref<1048576xi32, #tpu.memory_space<vmem_shared>>
          tpu.enqueue_indirect_dma source(%arg6 : memref<128xi32, #tpu.memory_space<vmem>>) target(%dma_start3A_57 : memref<1048576xi32, #tpu.memory_space<vmem_shared>>) offsets(%dma_start3A_55 : memref<128xi32, #tpu.memory_space<vmem>>) semaphore(%run_scoped3A : memref<!tpu.dma_semaphore, #tpu.memory_space<semaphore_mem>>) {add = true}
          %dma_wait3A = arith.constant 0 : i32
          %dma_wait3A_58 = tpu.memref_slice %arg5[%scan3A_51, %dma_wait3A] : memref<64x128xi32, #tpu.memory_space<vmem>> -> memref<1x128xi32, #tpu.memory_space<vmem>>
          %dma_wait3A_59 = tpu.memref_squeeze %dma_wait3A_58 : memref<1x128xi32, #tpu.memory_space<vmem>> -> memref<128xi32, #tpu.memory_space<vmem>>
          %dma_wait3A_60 = arith.constant 0 : i32
          %dma_wait3A_61 = tpu.memref_slice %arg4[%dma_wait3A_60] : memref<1048576xi32, #tpu.memory_space<vmem_shared>> -> memref<1048576xi32, #tpu.memory_space<vmem_shared>>
          tpu.wait_indirect_dma semaphore(%run_scoped3A : memref<!tpu.dma_semaphore, #tpu.memory_space<semaphore_mem>>) src(%arg6 : memref<128xi32, #tpu.memory_space<vmem>>) dst(%dma_wait3A_61 : memref<1048576xi32, #tpu.memory_space<vmem_shared>>)
          tpu.yield
        }) : () -> ()
        %scan3A_53 = arith.constant 0 : i32
        scf.yield %scan3A_53 : i32
      }
      %scan3A_49 = arith.constant 64 : i32
      %scan3A_50 = arith.constant 0 : i32
      scf.yield %scan3A_50 : i32
    }
    %scan3A_29 = arith.constant 2 : i32
    %barrier3A_30 = arith.constant 0 : index
    tpu.barrier barrier_id(%barrier3A_30)
    %mul3A_31 = arith.constant 65536 : i32
    %mul3A_32 = arith.muli %arg1, %mul3A_31 : i32
    %mul3A_33 = arith.constant 1048576 : i32
    %mul3A_34 = arith.muli %arg0, %mul3A_33 : i32
    %mul3A_35 = arith.constant 65536 : i32
    %mul3A_36 = arith.muli %arg1, %mul3A_35 : i32
    %add3A_37 = arith.addi %mul3A_34, %mul3A_36 : i32
    "tpu.region"() ({
      %run_scoped3A = tpu.sem_alloc : memref<!tpu.dma_semaphore, #tpu.memory_space<semaphore_mem>>
      %dma_start3A = tpu.memref_slice %arg3[%add3A_37] : memref<2097152xi32, #tpu.memory_space<hbm>> -> memref<65536xi32, #tpu.memory_space<hbm>>
      %dma_start3A_38 = tpu.memref_slice %arg4[%mul3A_32] : memref<1048576xi32, #tpu.memory_space<vmem_shared>> -> memref<65536xi32, #tpu.memory_space<vmem_shared>>
      tpu.enqueue_dma source(%dma_start3A_38 : memref<65536xi32, #tpu.memory_space<vmem_shared>>) target(%dma_start3A : memref<65536xi32, #tpu.memory_space<hbm>>) target_semaphore(%run_scoped3A : memref<!tpu.dma_semaphore, #tpu.memory_space<semaphore_mem>>)
      %dma_wait3A = tpu.memref_slice %arg3[%add3A_37] : memref<2097152xi32, #tpu.memory_space<hbm>> -> memref<65536xi32, #tpu.memory_space<hbm>>
      %dma_wait3A_39 = tpu.memref_slice %arg4[%mul3A_32] : memref<1048576xi32, #tpu.memory_space<vmem_shared>> -> memref<65536xi32, #tpu.memory_space<vmem_shared>>
      tpu.wait_dma2 semaphore(%run_scoped3A : memref<!tpu.dma_semaphore, #tpu.memory_space<semaphore_mem>>) src(%dma_wait3A_39 : memref<65536xi32, #tpu.memory_space<vmem_shared>>) dst(%dma_wait3A : memref<65536xi32, #tpu.memory_space<hbm>>)
      tpu.yield
    }) : () -> ()
    return
  }
}

module attributes {stable_mosaic.version = 14 : i64} {
  func.func @_codes_body(%arg0: i32, %arg1: memref<20x65536xi32, #tpu.memory_space<vmem>>, %arg2: memref<65536xi32, #tpu.memory_space<vmem>>) attributes {dimension_semantics = [#tpu.dimension_semantics<arbitrary>], iteration_bounds = array<i64: 8>, scalar_prefetch = 0 : i64, scratch_operands = 0 : i64, tpu.core_type = #tpu.core_type<tc>, window_params = [{transform_indices = @transform_0, window_bounds = array<i64: 20, 65536>}, {transform_indices = @transform_1, window_bounds = array<i64: 65536>}]} {
    %get3A = arith.constant 0 : index
    %get3A_0 = arith.constant 0 : index
    %get3A_1 = vector.load %arg1[%get3A, %get3A_0] : memref<20x65536xi32, #tpu.memory_space<vmem>>, vector<20x65536xi32>
    %convert_element_type3A = arith.sitofp %get3A_1 : vector<20x65536xi32> to vector<20x65536xbf16>
    %iota3A = tpu.iota {dimensions = array<i32: 1>} : vector<1x20xi32>
    %convert_element_type3A_2 = arith.sitofp %iota3A : vector<1x20xi32> to vector<1x20xf32>
    %exp23A = math.exp2 %convert_element_type3A_2 : vector<1x20xf32>
    %convert_element_type3A_3 = arith.truncf %exp23A : vector<1x20xf32> to vector<1x20xbf16>
    %dot_general3A = arith.constant dense<0.000000e+00> : vector<1x65536xf32>
    %dot_general3A_4 = tpu.matmul %convert_element_type3A_3, %convert_element_type3A, %dot_general3A {dimension_numbers = #tpu.dot_dimension_numbers<[1], [0], [0], [1], [0, 0, 1, 1], [], []>, transpose_lhs_hint = false} : vector<1x20xbf16>, vector<20x65536xbf16>, vector<1x65536xf32> -> vector<1x65536xf32>
    %reshape3A = vector.shape_cast %dot_general3A_4 : vector<1x65536xf32> to vector<65536xf32>
    %round3A = math.roundeven %reshape3A : vector<65536xf32>
    %convert_element_type3A_5 = arith.fptosi %round3A : vector<65536xf32> to vector<65536xi32>
    %swap3A = arith.constant 0 : index
    %swap3A_6 = vector.load %arg2[%swap3A] : memref<65536xi32, #tpu.memory_space<vmem>>, vector<65536xi32>
    tpu.vector_store %arg2[%swap3A], %convert_element_type3A_5 {strides = array<i32>} : memref<65536xi32, #tpu.memory_space<vmem>>, vector<65536xi32>,
    return
  }
  func.func @transform_0(%arg0: i32) -> (i32, i32) {
    %add3A = arith.constant 8 : i32
    %add3A_0 = arith.addi %arg0, %add3A : i32
    %c0_i32 = arith.constant 0 : i32
    %c0_i32_1 = arith.constant 0 : i32
    return %c0_i32, %add3A_0 : i32, i32
  }
  func.func @transform_1(%arg0: i32) -> i32 {
    %c0_i32 = arith.constant 0 : i32
    return %arg0 : i32
  }
}

module attributes {stable_mosaic.version = 14 : i64} {
  func.func @_codes_body(%arg0: i32, %arg1: memref<20x65536xi32, #tpu.memory_space<vmem>>, %arg2: memref<65536xi32, #tpu.memory_space<vmem>>) attributes {dimension_semantics = [#tpu.dimension_semantics<arbitrary>], iteration_bounds = array<i64: 8>, scalar_prefetch = 0 : i64, scratch_operands = 0 : i64, tpu.core_type = #tpu.core_type<tc>, window_params = [{transform_indices = @transform_0, window_bounds = array<i64: 20, 65536>}, {transform_indices = @transform_1, window_bounds = array<i64: 65536>}]} {
    %get3A = arith.constant 0 : index
    %get3A_0 = arith.constant 0 : index
    %get3A_1 = vector.load %arg1[%get3A, %get3A_0] : memref<20x65536xi32, #tpu.memory_space<vmem>>, vector<20x65536xi32>
    %convert_element_type3A = arith.sitofp %get3A_1 : vector<20x65536xi32> to vector<20x65536xbf16>
    %iota3A = tpu.iota {dimensions = array<i32: 1>} : vector<1x20xi32>
    %convert_element_type3A_2 = arith.sitofp %iota3A : vector<1x20xi32> to vector<1x20xf32>
    %exp23A = math.exp2 %convert_element_type3A_2 : vector<1x20xf32>
    %convert_element_type3A_3 = arith.truncf %exp23A : vector<1x20xf32> to vector<1x20xbf16>
    %dot_general3A = arith.constant dense<0.000000e+00> : vector<1x65536xf32>
    %dot_general3A_4 = tpu.matmul %convert_element_type3A_3, %convert_element_type3A, %dot_general3A {dimension_numbers = #tpu.dot_dimension_numbers<[1], [0], [0], [1], [0, 0, 1, 1], [], []>, transpose_lhs_hint = false} : vector<1x20xbf16>, vector<20x65536xbf16>, vector<1x65536xf32> -> vector<1x65536xf32>
    %reshape3A = vector.shape_cast %dot_general3A_4 : vector<1x65536xf32> to vector<65536xf32>
    %round3A = math.roundeven %reshape3A : vector<65536xf32>
    %convert_element_type3A_5 = arith.fptosi %round3A : vector<65536xf32> to vector<65536xi32>
    %swap3A = arith.constant 0 : index
    %swap3A_6 = vector.load %arg2[%swap3A] : memref<65536xi32, #tpu.memory_space<vmem>>, vector<65536xi32>
    tpu.vector_store %arg2[%swap3A], %convert_element_type3A_5 {strides = array<i32>} : memref<65536xi32, #tpu.memory_space<vmem>>, vector<65536xi32>,
    return
  }
  func.func @transform_0(%arg0: i32) -> (i32, i32) {
    %add3A = arith.constant 0 : i32
    %add3A_0 = arith.addi %arg0, %add3A : i32
    %c0_i32 = arith.constant 0 : i32
    %c0_i32_1 = arith.constant 0 : i32
    return %c0_i32, %add3A_0 : i32, i32
  }
  func.func @transform_1(%arg0: i32) -> i32 {
    %c0_i32 = arith.constant 0 : i32
    return %arg0 : i32
  }
}

module attributes {stable_mosaic.version = 14 : i64} {
  func.func @_bins_body(%arg0: i32, %arg1: memref<2x8192x128xi32, #tpu.memory_space<vmem>>, %arg2: memref<2x8192x128xi32, #tpu.memory_space<vmem>>, %arg3: memref<16x16xf32, #tpu.memory_space<vmem>>, %arg4: memref<16x16xf32, #tpu.memory_space<vmem>>, %arg5: memref<16x16xf32, #tpu.memory_space<vmem>>, %arg6: memref<64x16xf32, #tpu.memory_space<vmem>>, %arg7: memref<64x16xf32, #tpu.memory_space<vmem>>, %arg8: memref<8192x128xi32, #tpu.memory_space<vmem>>, %arg9: memref<64x1xf32, #tpu.memory_space<vmem>>) attributes {dimension_semantics = [#tpu.dimension_semantics<arbitrary>], iteration_bounds = array<i64: 1>, scalar_prefetch = 0 : i64, scratch_operands = 0 : i64, tpu.core_type = #tpu.core_type<tc>, window_params = [{pipeline_mode = #tpu.pipeline_mode<synchronous>, transform_indices = @transform_0, window_bounds = array<i64: 2, 8192, 128>}, {pipeline_mode = #tpu.pipeline_mode<synchronous>, transform_indices = @transform_1, window_bounds = array<i64: 2, 8192, 128>}, {pipeline_mode = #tpu.pipeline_mode<synchronous>, transform_indices = @transform_2, window_bounds = array<i64: 16, 16>}, {pipeline_mode = #tpu.pipeline_mode<synchronous>, transform_indices = @transform_3, window_bounds = array<i64: 16, 16>}, {pipeline_mode = #tpu.pipeline_mode<synchronous>, transform_indices = @transform_4, window_bounds = array<i64: 16, 16>}, {pipeline_mode = #tpu.pipeline_mode<synchronous>, transform_indices = @transform_5, window_bounds = array<i64: 64, 16>}, {pipeline_mode = #tpu.pipeline_mode<synchronous>, transform_indices = @transform_6, window_bounds = array<i64: 64, 16>}, {pipeline_mode = #tpu.pipeline_mode<synchronous>, transform_indices = @transform_7, window_bounds = array<i64: 8192, 128>}, {pipeline_mode = #tpu.pipeline_mode<synchronous>, transform_indices = @transform_8, window_bounds = array<i64: 64, 1>}]} {
    %get3A = arith.constant 0 : index
    %get3A_0 = arith.constant 0 : index
    %get3A_1 = arith.constant 0 : index
    %get3A_2 = vector.load %arg1[%get3A, %get3A_0, %get3A_1] : memref<2x8192x128xi32, #tpu.memory_space<vmem>>, vector<1x8192x128xi32>
    %get3A_3 = vector.shape_cast %get3A_2 : vector<1x8192x128xi32> to vector<8192x128xi32>
    %get3A_4 = arith.constant 1 : index
    %get3A_5 = arith.constant 0 : index
    %get3A_6 = arith.constant 0 : index
    %get3A_7 = vector.load %arg1[%get3A_4, %get3A_5, %get3A_6] : memref<2x8192x128xi32, #tpu.memory_space<vmem>>, vector<1x8192x128xi32>
    %get3A_8 = vector.shape_cast %get3A_7 : vector<1x8192x128xi32> to vector<8192x128xi32>
    %add3A = arith.addi %get3A_3, %get3A_8 : vector<8192x128xi32>
    %get3A_9 = arith.constant 0 : index
    %get3A_10 = arith.constant 0 : index
    %get3A_11 = arith.constant 0 : index
    %get3A_12 = vector.load %arg2[%get3A_9, %get3A_10, %get3A_11] : memref<2x8192x128xi32, #tpu.memory_space<vmem>>, vector<1x8192x128xi32>
    %get3A_13 = vector.shape_cast %get3A_12 : vector<1x8192x128xi32> to vector<8192x128xi32>
    %add3A_14 = arith.addi %add3A, %get3A_13 : vector<8192x128xi32>
    %get3A_15 = arith.constant 1 : index
    %get3A_16 = arith.constant 0 : index
    %get3A_17 = arith.constant 0 : index
    %get3A_18 = vector.load %arg2[%get3A_15, %get3A_16, %get3A_17] : memref<2x8192x128xi32, #tpu.memory_space<vmem>>, vector<1x8192x128xi32>
    %get3A_19 = vector.shape_cast %get3A_18 : vector<1x8192x128xi32> to vector<8192x128xi32>
    %add3A_20 = arith.addi %add3A_14, %get3A_19 : vector<8192x128xi32>
    %swap3A = arith.constant 0 : index
    %swap3A_21 = arith.constant 0 : index
    %swap3A_22 = vector.load %arg8[%swap3A, %swap3A_21] : memref<8192x128xi32, #tpu.memory_space<vmem>>, vector<8192x128xi32>
    tpu.vector_store %arg8[%swap3A, %swap3A_21], %add3A_20 {strides = array<i32>} : memref<8192x128xi32, #tpu.memory_space<vmem>>, vector<8192x128xi32>,
    %iota3A = tpu.iota {dimensions = array<i32: 0>} : vector<8192x16xi32>
    %iota3A_23 = tpu.iota {dimensions = array<i32: 1>} : vector<8192x16xi32>
    %shift_right_arithmetic3A = arith.shrsi %iota3A, %iota3A_23 : vector<8192x16xi32>
    %and3A = arith.constant 1 : i32
    %and3A_24 = vector.broadcast %and3A : i32 to vector<8192x16xi32>
    %and3A_25 = arith.andi %shift_right_arithmetic3A, %and3A_24 : vector<8192x16xi32>
    %convert_element_type3A = arith.sitofp %and3A_25 : vector<8192x16xi32> to vector<8192x16xf32>
    %iota3A_26 = tpu.iota {dimensions = array<i32: 1>} : vector<16x128xi32>
    %iota3A_27 = tpu.iota {dimensions = array<i32: 0>} : vector<16x128xi32>
    %shift_right_arithmetic3A_28 = arith.shrsi %iota3A_26, %iota3A_27 : vector<16x128xi32>
    %and3A_29 = arith.constant 1 : i32
    %and3A_30 = vector.broadcast %and3A_29 : i32 to vector<16x128xi32>
    %and3A_31 = arith.andi %shift_right_arithmetic3A_28, %and3A_30 : vector<16x128xi32>
    %convert_element_type3A_32 = arith.sitofp %and3A_31 : vector<16x128xi32> to vector<16x128xf32>
    %get3A_33 = arith.constant 0 : index
    %get3A_34 = arith.constant 0 : index
    %get3A_35 = vector.load %arg4[%get3A_33, %get3A_34] : memref<16x16xf32, #tpu.memory_space<vmem>>, vector<16x16xf32>
    %dot_general3A = arith.constant dense<0.000000e+00> : vector<8192x16xf32>
    %dot_general3A_36 = tpu.matmul %convert_element_type3A, %get3A_35, %dot_general3A {dimension_numbers = #tpu.dot_dimension_numbers<[1], [0], [0], [1], [0, 0, 1, 1], [], []>, transpose_lhs_hint = false} : vector<8192x16xf32>, vector<16x16xf32>, vector<8192x16xf32> -> vector<8192x16xf32>
    %mul3A = arith.mulf %dot_general3A_36, %convert_element_type3A : vector<8192x16xf32>
    %broadcast_in_dim3A = arith.constant 1.000000e+00 : f32
    %broadcast_in_dim3A_37 = vector.broadcast %broadcast_in_dim3A : f32 to vector<16x1xf32>
    %dot_general3A_38 = arith.constant dense<0.000000e+00> : vector<8192x1xf32>
    %dot_general3A_39 = tpu.matmul %mul3A, %broadcast_in_dim3A_37, %dot_general3A_38 {dimension_numbers = #tpu.dot_dimension_numbers<[1], [0], [0], [1], [0, 0, 1, 1], [], []>, transpose_lhs_hint = false} : vector<8192x16xf32>, vector<16x1xf32>, vector<8192x1xf32> -> vector<8192x1xf32>
    %get3A_40 = arith.constant 0 : index
    %get3A_41 = arith.constant 0 : index
    %get3A_42 = vector.load %arg5[%get3A_40, %get3A_41] : memref<16x16xf32, #tpu.memory_space<vmem>>, vector<16x16xf32>
    %dot_general3A_43 = arith.constant dense<0.000000e+00> : vector<16x128xf32>
    %dot_general3A_44 = tpu.matmul %get3A_42, %convert_element_type3A_32, %dot_general3A_43 {dimension_numbers = #tpu.dot_dimension_numbers<[1], [0], [0], [1], [0, 0, 1, 1], [], []>, transpose_lhs_hint = false} : vector<16x16xf32>, vector<16x128xf32>, vector<16x128xf32> -> vector<16x128xf32>
    %broadcast_in_dim3A_45 = arith.constant 1.000000e+00 : f32
    %broadcast_in_dim3A_46 = vector.broadcast %broadcast_in_dim3A_45 : f32 to vector<1x16xf32>
    %mul3A_47 = arith.mulf %dot_general3A_44, %convert_element_type3A_32 : vector<16x128xf32>
    %dot_general3A_48 = arith.constant dense<0.000000e+00> : vector<1x128xf32>
    %dot_general3A_49 = tpu.matmul %broadcast_in_dim3A_46, %mul3A_47, %dot_general3A_48 {dimension_numbers = #tpu.dot_dimension_numbers<[1], [0], [0], [1], [0, 0, 1, 1], [], []>, transpose_lhs_hint = false} : vector<1x16xf32>, vector<16x128xf32>, vector<1x128xf32> -> vector<1x128xf32>
    %get3A_50 = arith.constant 0 : index
    %get3A_51 = arith.constant 0 : index
    %get3A_52 = vector.load %arg3[%get3A_50, %get3A_51] : memref<16x16xf32, #tpu.memory_space<vmem>>, vector<16x16xf32>
    %dot_general3A_53 = arith.constant dense<0.000000e+00> : vector<8192x16xf32>
    %dot_general3A_54 = tpu.matmul %convert_element_type3A, %get3A_52, %dot_general3A_53 {dimension_numbers = #tpu.dot_dimension_numbers<[1], [0], [0], [1], [0, 0, 1, 1], [], []>, transpose_lhs_hint = false} : vector<8192x16xf32>, vector<16x16xf32>, vector<8192x16xf32> -> vector<8192x16xf32>
    %broadcast_in_dim3A_55 = arith.constant 1.000000e+00 : f32
    %broadcast_in_dim3A_56 = vector.broadcast %broadcast_in_dim3A_55 : f32 to vector<8192x1xf32>
    %concatenate3A = tpu.concatenate %dot_general3A_54, %dot_general3A_39, %broadcast_in_dim3A_56 in 1 : vector<8192x16xf32>, vector<8192x1xf32>, vector<8192x1xf32> -> vector<8192x18xf32>
    %broadcast_in_dim3A_57 = arith.constant 1.000000e+00 : f32
    %broadcast_in_dim3A_58 = vector.broadcast %broadcast_in_dim3A_57 : f32 to vector<1x128xf32>
    %concatenate3A_59 = tpu.concatenate %convert_element_type3A_32, %broadcast_in_dim3A_58, %dot_general3A_49 in 0 : vector<16x128xf32>, vector<1x128xf32>, vector<1x128xf32> -> vector<18x128xf32>
    %dot_general3A_60 = arith.constant dense<0.000000e+00> : vector<8192x128xf32>
    %dot_general3A_61 = tpu.matmul %concatenate3A, %concatenate3A_59, %dot_general3A_60 {dimension_numbers = #tpu.dot_dimension_numbers<[1], [0], [0], [1], [0, 0, 1, 1], [], []>, transpose_lhs_hint = false} : vector<8192x18xf32>, vector<18x128xf32>, vector<8192x128xf32> -> vector<8192x128xf32>
    %reduce_max3A = vector.shape_cast %dot_general3A_61 : vector<8192x128xf32> to vector<1x8192x128xf32>
    %reduce_max3A_62 = arith.constant dense<0xFF800000> : vector<1xf32>
    %reduce_max3A_63 = vector.multi_reduction <maximumf>, %reduce_max3A, %reduce_max3A_62 [1, 2] : vector<1x8192x128xf32> to vector<1xf32>
    %reduce_max3A_64 = vector.shape_cast %reduce_max3A_63 : vector<1xf32> to vector<1x1x1xf32>
    %reduce_max3A_65 = vector.extract %reduce_max3A_64[0, 0, 0] : f32 from vector<1x1x1xf32>
    %convert_element_type3A_66 = arith.sitofp %add3A_20 : vector<8192x128xi32> to vector<8192x128xf32>
    %sub3A = vector.broadcast %reduce_max3A_65 : f32 to vector<8192x128xf32>
    %sub3A_67 = arith.subf %dot_general3A_61, %sub3A : vector<8192x128xf32>
    %exp3A = math.exp %sub3A_67 : vector<8192x128xf32>
    %mul3A_68 = arith.mulf %convert_element_type3A_66, %exp3A : vector<8192x128xf32>
    %broadcast_in_dim3A_69 = arith.constant 1.000000e+00 : f32
    %broadcast_in_dim3A_70 = vector.broadcast %broadcast_in_dim3A_69 : f32 to vector<128x1xf32>
    %dot_general3A_71 = arith.constant dense<0.000000e+00> : vector<8192x1xf32>
    %dot_general3A_72 = tpu.matmul %mul3A_68, %broadcast_in_dim3A_70, %dot_general3A_71 {dimension_numbers = #tpu.dot_dimension_numbers<[1], [0], [0], [1], [0, 0, 1, 1], [], []>, transpose_lhs_hint = false} : vector<8192x128xf32>, vector<128x1xf32>, vector<8192x1xf32> -> vector<8192x1xf32>
    %broadcast_in_dim3A_73 = arith.constant 1.000000e+00 : f32
    %broadcast_in_dim3A_74 = vector.broadcast %broadcast_in_dim3A_73 : f32 to vector<1x8192xf32>
    %dot_general3A_75 = arith.constant dense<0.000000e+00> : vector<1x128xf32>
    %dot_general3A_76 = tpu.matmul %broadcast_in_dim3A_74, %mul3A_68, %dot_general3A_75 {dimension_numbers = #tpu.dot_dimension_numbers<[1], [0], [0], [1], [0, 0, 1, 1], [], []>, transpose_lhs_hint = false} : vector<1x8192xf32>, vector<8192x128xf32>, vector<1x128xf32> -> vector<1x128xf32>
    %reduce_sum3A = vector.shape_cast %dot_general3A_72 : vector<8192x1xf32> to vector<1x8192x1xf32>
    %reduce_sum3A_77 = arith.constant dense<0.000000e+00> : vector<1xf32>
    %reduce_sum3A_78 = vector.multi_reduction <add>, %reduce_sum3A, %reduce_sum3A_77 [1, 2] : vector<1x8192x1xf32> to vector<1xf32>
    %reduce_sum3A_79 = vector.shape_cast %reduce_sum3A_78 : vector<1xf32> to vector<1x1x1xf32>
    %reduce_sum3A_80 = vector.extract %reduce_sum3A_79[0, 0, 0] : f32 from vector<1x1x1xf32>
    %dot_general3A_81 = arith.constant dense<0.000000e+00> : vector<1x16xf32>
    %dot_general3A_82 = tpu.matmul %dot_general3A_72, %convert_element_type3A, %dot_general3A_81 {dimension_numbers = #tpu.dot_dimension_numbers<[0], [0], [1], [1], [0, 1, 1, 1], [], []>, transpose_lhs_hint = false} : vector<8192x1xf32>, vector<8192x16xf32>, vector<1x16xf32> -> vector<1x16xf32>
    %dot_general3A_83 = arith.constant dense<0.000000e+00> : vector<1x16xf32>
    %dot_general3A_84 = tpu.matmul %dot_general3A_76, %convert_element_type3A_32, %dot_general3A_83 {dimension_numbers = #tpu.dot_dimension_numbers<[1], [1], [0], [0], [0, 0, 1, 0], [], []>, transpose_lhs_hint = false} : vector<1x128xf32>, vector<16x128xf32>, vector<1x16xf32> -> vector<1x16xf32>
    %mul3A_85 = arith.constant 2.000000e+00 : f32
    %mul3A_86 = vector.broadcast %mul3A_85 : f32 to vector<1x16xf32>
    %mul3A_87 = arith.mulf %mul3A_86, %dot_general3A_82 : vector<1x16xf32>
    %div3A = vector.broadcast %reduce_sum3A_80 : f32 to vector<1x16xf32>
    %div3A_88 = arith.divf %mul3A_87, %div3A : vector<1x16xf32>
    %sub3A_89 = arith.constant 1.000000e+00 : f32
    %sub3A_90 = vector.broadcast %sub3A_89 : f32 to vector<1x16xf32>
    %sub3A_91 = arith.subf %sub3A_90, %div3A_88 : vector<1x16xf32>
    %mul3A_92 = arith.constant 2.000000e+00 : f32
    %mul3A_93 = vector.broadcast %mul3A_92 : f32 to vector<1x16xf32>
    %mul3A_94 = arith.mulf %mul3A_93, %dot_general3A_84 : vector<1x16xf32>
    %div3A_95 = vector.broadcast %reduce_sum3A_80 : f32 to vector<1x16xf32>
    %div3A_96 = arith.divf %mul3A_94, %div3A_95 : vector<1x16xf32>
    %sub3A_97 = arith.constant 1.000000e+00 : f32
    %sub3A_98 = vector.broadcast %sub3A_97 : f32 to vector<1x16xf32>
    %sub3A_99 = arith.subf %sub3A_98, %div3A_96 : vector<1x16xf32>
    %get3A_100 = arith.constant 0 : index
    %get3A_101 = arith.constant 0 : index
    %get3A_102 = vector.load %arg6[%get3A_100, %get3A_101] : memref<64x16xf32, #tpu.memory_space<vmem>>, vector<64x16xf32>
    %dot_general3A_103 = arith.constant dense<0.000000e+00> : vector<64x1xf32>
    %dot_general3A_104 = tpu.matmul %get3A_102, %sub3A_91, %dot_general3A_103 {dimension_numbers = #tpu.dot_dimension_numbers<[1], [1], [0], [0], [0, 0, 1, 0], [], []>, transpose_lhs_hint = false} : vector<64x16xf32>, vector<1x16xf32>, vector<64x1xf32> -> vector<64x1xf32>
    %get3A_105 = arith.constant 0 : index
    %get3A_106 = arith.constant 0 : index
    %get3A_107 = vector.load %arg7[%get3A_105, %get3A_106] : memref<64x16xf32, #tpu.memory_space<vmem>>, vector<64x16xf32>
    %dot_general3A_108 = arith.constant dense<0.000000e+00> : vector<64x1xf32>
    %dot_general3A_109 = tpu.matmul %get3A_107, %sub3A_99, %dot_general3A_108 {dimension_numbers = #tpu.dot_dimension_numbers<[1], [1], [0], [0], [0, 0, 1, 0], [], []>, transpose_lhs_hint = false} : vector<64x16xf32>, vector<1x16xf32>, vector<64x1xf32> -> vector<64x1xf32>
    %add3A_110 = arith.addf %dot_general3A_104, %dot_general3A_109 : vector<64x1xf32>
    %swap3A_111 = arith.constant 0 : index
    %swap3A_112 = arith.constant 0 : index
    %swap3A_113 = vector.load %arg9[%swap3A_111, %swap3A_112] : memref<64x1xf32, #tpu.memory_space<vmem>>, vector<64x1xf32>
    tpu.vector_store %arg9[%swap3A_111, %swap3A_112], %add3A_110 {strides = array<i32>} : memref<64x1xf32, #tpu.memory_space<vmem>>, vector<64x1xf32>,
    return
  }
  func.func @transform_0(%arg0: i32) -> (i32, i32, i32) {
    %c0_i32 = arith.constant 0 : i32
    %c0_i32_0 = arith.constant 0 : i32
    %c0_i32_1 = arith.constant 0 : i32
    %c0_i32_2 = arith.constant 0 : i32
    return %c0_i32, %c0_i32_0, %c0_i32_1 : i32, i32, i32
  }
  func.func @transform_1(%arg0: i32) -> (i32, i32, i32) {
    %c0_i32 = arith.constant 0 : i32
    %c0_i32_0 = arith.constant 0 : i32
    %c0_i32_1 = arith.constant 0 : i32
    %c0_i32_2 = arith.constant 0 : i32
    return %c0_i32, %c0_i32_0, %c0_i32_1 : i32, i32, i32
  }
  func.func @transform_2(%arg0: i32) -> (i32, i32) {
    %c0_i32 = arith.constant 0 : i32
    %c0_i32_0 = arith.constant 0 : i32
    %c0_i32_1 = arith.constant 0 : i32
    return %c0_i32, %c0_i32_0 : i32, i32
  }
  func.func @transform_3(%arg0: i32) -> (i32, i32) {
    %c0_i32 = arith.constant 0 : i32
    %c0_i32_0 = arith.constant 0 : i32
    %c0_i32_1 = arith.constant 0 : i32
    return %c0_i32, %c0_i32_0 : i32, i32
  }
  func.func @transform_4(%arg0: i32) -> (i32, i32) {
    %c0_i32 = arith.constant 0 : i32
    %c0_i32_0 = arith.constant 0 : i32
    %c0_i32_1 = arith.constant 0 : i32
    return %c0_i32, %c0_i32_0 : i32, i32
  }
  func.func @transform_5(%arg0: i32) -> (i32, i32) {
    %c0_i32 = arith.constant 0 : i32
    %c0_i32_0 = arith.constant 0 : i32
    %c0_i32_1 = arith.constant 0 : i32
    return %c0_i32, %c0_i32_0 : i32, i32
  }
  func.func @transform_6(%arg0: i32) -> (i32, i32) {
    %c0_i32 = arith.constant 0 : i32
    %c0_i32_0 = arith.constant 0 : i32
    %c0_i32_1 = arith.constant 0 : i32
    return %c0_i32, %c0_i32_0 : i32, i32
  }
  func.func @transform_7(%arg0: i32) -> (i32, i32) {
    %c0_i32 = arith.constant 0 : i32
    %c0_i32_0 = arith.constant 0 : i32
    %c0_i32_1 = arith.constant 0 : i32
    return %c0_i32, %c0_i32_0 : i32, i32
  }
  func.func @transform_8(%arg0: i32) -> (i32, i32) {
    %c0_i32 = arith.constant 0 : i32
    %c0_i32_0 = arith.constant 0 : i32
    %c0_i32_1 = arith.constant 0 : i32
    return %c0_i32, %c0_i32_0 : i32, i32
  }
}

</mosaic_0001>

<sc_bundles>
// kernel: kernel.11.cloned.1.call-start
scs
__scs_entry_jumppad:
0x0: {  	(pc) =	sbr.rel $0x88, $3  }
0x1: {  	(tag) =	ssettag $0x0;
	lr =	simm.s32 $0x1  }
0x2: {  	[smem:$0x3F9D] =	sst lr;
	_ =	strace $0xD0000000  }
0x3: {  	_ = 	snop  }
0x4: {  	_ = 	snop  }
0x5: {  	_ = 	snop  }
0x6: {  	_ = 	snop  }
0x7: {  	_ = 	snop  }
__scs_overlays_trampoline_lowered:
0x8: {  	[smem:$0x3FAC] =	sst s0  }
0x9: {  	[smem:$0x3FAD] =	sst s1  }
0xa: {  	[smem:$0x3FAE] =	sst s2  }
0xb: {  	[smem:$0x3FAF] =	sst s3  }
0xc: {  	[smem:$0x3FB0] =	sst s4  }
0xd: {  	[smem:$0x3FB1] =	sst s5  }
0xe: {  	[smem:$0x3FB2] =	sst s6  }
0xf: {  	[smem:$0x3FB3] =	sst s7  }
0x10: {  	[smem:$0x3FB4] =	sst s8  }
0x11: {  	[smem:$0x3FB5] =	sst s9;
	s0 =	simm.s32 @!p0 $0x0  }
0x12: {  	s1 =	sld [smem:$0x3F9B];
	s0 =	simm.s32 @p0 $0x1  }
0x13: {  	[smem:$0x3FB6] =	sst s0;
	s0 =	simm.s32 @!p1 $0x0  }
0x14: {  	s2 =	sld [smem:$0x3F9A];
	s0 =	simm.s32 @p1 $0x1  }
0x15: {  	[smem:$0x3FB7] =	sst s0;
	s0 =	simm.s32 @!p2 $0x0  }
0x16: {  	s3 =	sld [smem:$0x3FDB];
	s0 =	simm.s32 @p2 $0x1  }
0x17: {  	s4 =	simm.s32 $0x1BF5;
	[smem:$0x3FB9] =	sst s0  }
0x18: {  	s0 =	sld [smem:$0x3F9C];
	_ =	swait.ge [sflag:s4], $0x0  }
0x19: {  	s7 =	sld [smem:$0x3F9D]  }
0x1a: {  	s8 =	sadd.s32 $0xFFFFE003, lr  }
0x1b: {  	s9 =	sadd.s32 $0xFFFFFEF7, lr;
	s5 =	simm.s32 $0xFFFFFFFF;
	p2 =	slt.u32 s8, $0xFFFFF086  }
0x1c: {  	p1 =	slt.u32 s9, $0xF7A;
	s5 =	simm.s32 @!p2 $0x0  }
0x1d: {  	s5 =	simm.s32 @p1 $0x1;
	p0 =	seq.s32 s7, s2  }
0x1e: {  	s7 =	smul.u32 @!p0 $0xF7A, s2;
	p2 =	seq.s32 @!p0 s5, $0x0  }
0x1f: {  	s9 =	smul.u32 $0xF7A, s1;
	s8 =	simm.s32 @!p0 $0x1BF5;
	p2 =	por !p2, p0  }
0x20: {  	[sflag:s8] =	ssyncset.s32 @!p0 $0xFFFFF086;
	s6 =	sadd.s32 @!p0 s3, s7;
	s7 =	simm.s32 @!p0 $0x108  }
0x21: {  	s3 =	sadd.s32 s3, s9;
	s6 =	sadd.s32 @!p0 $0x88, s6;
	s7 =	simm.s32 @p2 $0x1082  }
0x22: {  	[simem:s7], [sflag:s8] =	dma.local @!p0 [hbm:s6], $0xF7A  }
0x23: {  	s9 =	sor.u32 $0xD0000000, s2;
	s6 =	simm.s32 $0x108;
	_ =	swait.ge @!p0 [sflag:s8], $0x0  }
0x24: {  	s3 =	sadd.s32 $0x88, s3;
	s6 =	simm.s32 @!p1 $0x1082;
	[sflag:s4] =	ssyncset.s32 $0xFFFFF086  }
0x25: {  	[simem:s6], [sflag:s4] =	dma.local [hbm:s3], $0xF7A  }
0x26: {  	[smem:$0x3F9D] =	sst s1;
	(tag) =	ssettag s2;
	_ =	strace s9  }
0x27: {  	s1 =	sld [smem:$0x3FAD]  }
0x28: {  	s2 =	sld [smem:$0x3FAE]  }
0x29: {  	s4 =	sld [smem:$0x3FB0]  }
0x2a: {  	p0 =	seq.s32 s5, $0x0;
	s5 =	sld [smem:$0x3FB1]  }
0x2b: {  	s6 =	sld [smem:$0x3FB2]  }
0x2c: {  	s7 =	sld [smem:$0x3FB3]  }
0x2d: {  	s3 =	simm.s32 $0x108;
	s8 =	sld [smem:$0x3FB4]  }
0x2e: {  	s3 =	simm.s32 @!p0 $0x1082;
	s9 =	sld [smem:$0x3FB5]  }
0x2f: {  	lr =	sadd.s32 s0, s3;
	s0 =	sld [smem:$0x3FAC]  }
0x30: {  	s3 =	sld [smem:$0x3FAF]  }
0x31: {  	[smem:$0x3FB8] =	sst s10  }
0x32: {  	s10 =	sld [smem:$0x3FB6];
	_ =	sdelay $0x3  }
0x33: {  	p0 =	seq.s32 s10, $0x1;
	s10 =	sld [smem:$0x3FB8];
	_ =	sdelay $0x3  }
0x34: {  	[smem:$0x3FB8] =	sst s10  }
0x35: {  	s10 =	sld [smem:$0x3FB7];
	_ =	sdelay $0x3  }
0x36: {  	p1 =	seq.s32 s10, $0x1;
	s10 =	sld [smem:$0x3FB8];
	_ =	sdelay $0x3  }
0x37: {  	[smem:$0x3FB8] =	sst s10  }
0x38: {  	s10 =	sld [smem:$0x3FB9]  }
0x39: {  	_ = 	snop;
	(pc) =	sbr.ind lr, $3  }
0x3a: {  	_ = 	snop  }
0x3b: {  	_ = 	snop  }
0x3c: {  	p2 =	seq.s32 s10, $0x1;
	s10 =	sld [smem:$0x3FB8]  }
0x3d: {  	_ =	shalt  }
0x3e: {  	_ =	shalt  }
0x3f: {  	_ =	shalt  }
0x40: {  	_ =	shalt  }
0x41: {  	_ =	shalt  }
0x42: {  	_ =	shalt  }
0x43: {  	_ =	shalt  }
0x44: {  	_ =	shalt  }
0x45: {  	_ =	shalt  }
0x46: {  	_ =	shalt  }
0x47: {  	_ =	shalt  }
0x48: {  	_ =	shalt  }
0x49: {  	_ =	shalt  }
0x4a: {  	_ =	shalt  }
0x4b: {  	_ =	shalt  }
0x4c: {  	_ =	shalt  }
0x4d: {  	_ =	shalt  }
0x4e: {  	_ =	shalt  }
0x4f: {  	_ =	shalt  }
0x50: {  	_ =	shalt  }
0x51: {  	_ =	shalt  }
0x52: {  	_ =	shalt  }
0x53: {  	_ =	shalt  }
0x54: {  	_ =	shalt  }
0x55: {  	_ =	shalt  }
0x56: {  	_ =	shalt  }
0x57: {  	_ =	shalt  }
0x58: {  	_ =	shalt  }
0x59: {  	_ =	shalt  }
0x5a: {  	_ =	shalt  }
0x5b: {  	_ =	shalt  }
0x5c: {  	_ =	shalt  }
0x5d: {  	_ =	shalt  }
0x5e: {  	_ =	shalt  }
0x5f: {  	_ =	shalt  }
0x60: {  	_ =	shalt  }
0x61: {  	_ =	shalt  }
0x62: {  	_ =	shalt  }
0x63: {  	_ =	shalt  }
0x64: {  	_ =	shalt  }
0x65: {  	_ =	shalt  }
0x66: {  	_ =	shalt  }
0x67: {  	_ =	shalt  }
0x68: {  	_ =	shalt  }
0x69: {  	_ =	shalt  }
0x6a: {  	_ =	shalt  }
0x6b: {  	_ =	shalt  }
0x6c: {  	_ =	shalt  }
0x6d: {  	_ =	shalt  }
0x6e: {  	_ =	shalt  }
0x6f: {  	_ =	shalt  }
0x70: {  	_ =	shalt  }
0x71: {  	_ =	shalt  }
0x72: {  	_ =	shalt  }
0x73: {  	_ =	shalt  }
0x74: {  	_ =	shalt  }
0x75: {  	_ =	shalt  }
0x76: {  	_ =	shalt  }
0x77: {  	_ =	shalt  }
0x78: {  	_ =	shalt  }
0x79: {  	_ =	shalt  }
0x7a: {  	_ =	shalt  }
0x7b: {  	_ =	shalt  }
0x7c: {  	_ =	shalt  }
0x7d: {  	_ =	shalt  }
0x7e: {  	_ =	shalt  }
0x7f: {  	_ =	shalt  }
0x80: {  	_ =	shalt  }
0x81: {  	_ =	shalt  }
0x82: {  	_ =	shalt  }
0x83: {  	_ =	shalt  }
0x84: {  	_ =	shalt  }
0x85: {  	_ =	shalt  }
0x86: {  	_ =	shalt  }
0x87: {  	_ =	shalt  }
.Lfunc_end0:
.L_simem_size_0:
called_computation.1_lowered:
.L_overlay_start_0:
0x88: {  	s2 =	sld [smem:$0x3FD9]  }
0x89: {  	s3 =	sld [smem:$0x3FFE];
	_ =	sdelay $0x1  }
0x8a: {  	s1 =	srdreg.scid  }
0x8b: {  	s0 =	sand.u32 $0x1, s1  }
0x8c: {  	s17 =	sshll.u32 s0, $0xA;
	s2 =	sadd.s32 s3, s2  }
0x8d: {  	s2 =	sadd.s32 s2, s17  }
0x8e: {  	[smem:$0x3FC4] =	sst s2  }
0x8f: {  	_ = 	snop  }
0x90: {  	(tm) =	ssettm $0x1  }
0x91: {  	s18 =	sld [smem:$0x3FFB];
	_ =	sdelay $0x3  }
0x92: {  	_ =	strace s18  }
0x93: {  	s2 =	sld [smem:$0x3FFC];
	_ =	sdelay $0x3  }
0x94: {  	_ =	strace s2  }
0x95: {  	s2 =	sld [smem:$0x3FFD];
	_ =	sdelay $0x3  }
0x96: {  	_ =	strace s2  }
0x97: {  	_ =	strace $0x8FFFFFFF  }
0x98: {  	s19 =	sld [smem:$0x3FDB];
	_ =	sdelay $0x1  }
0x99: {  	s20 =	simm.s32 $_scs_section_size  }
0x9a: {  	s4 =	simm.s32 $_size__tile_overlayer_lowered;
	s5 =	simm.s32 $_tile_overlayer_lowered  }
0x9b: {  	s6 =	simm.s32 $0x1BFF;
	s21 =	sshll.u32 s5, $0x1;
	s3 =	sadd.s32 s20, s19  }
0x9c: {  	s22 =	simm.s32 $0x0;
	s4 =	sshll.u32 s4, $0x1;
	s5 =	sadd.s32 s21, s3  }
0x9d: {  	[timem:s22], [sflag:s6] =	dma.local [hbm:s5], s4  }
0x9e: {  	_ =	swait.ge [sflag:s6], s4  }
0x9f: {  	s4 =	ssub.s32 $0x0, s4;
	[sflag:s6] =	ssyncset.done $0x0  }
0xa0: {  	[sflag:s6] =	ssyncadd.s32 s4;
	_ =	sdelay $0x1  }
0xa1: {  	s23 =	simm.s32 $0x1B8B  }
0xa2: {  	_ =	swait.ge [sflag:s23], $0x1  }
0xa3: {  	[sflag:s23] =	ssyncset.done $0x0  }
0xa4: {  	[sflag:s23] =	ssyncadd.s32 $0xFFFFFFFF  }
0xa5: {  	s4 =	sld [smem:$0x0]  }
0xa6: {  	s5 =	sand.u32 $0xFFFFFFFE, s1  }
0xa7: {  	p0 =	sne.s32 s1, s5  }
0xa8: {  	s5 =	sshll.u32 @p0 s5, $0xE  }
0xa9: {  	s5 =	sadd.s32 @p0 $0x11B8D, s5;
	s6 =	sshll.u32 @p0 s4, $0x11  }
0xaa: {  	s5 =	sor.u32 @p0 s6, s5  }
0xab: {  	[sflag:s5] =	ssyncadd.remote.s32 @p0 $0x1;
	_ =	sdelay $0x1  }
0xac: {  	s5 =	simm.s32 @p0 $0x1B8D  }
0xad: {  	_ =	swait.eq @p0 [sflag:s5], $0x1  }
0xae: {  	[sflag:s5] =	ssyncadd.s32 @p0 $0xFFFFFFFF  }
0xaf: {  	s6 =	sshll.u32 @!p0 s1, $0xE  }
0xb0: {  	s6 =	sor.u32 @!p0 $0x4000, s6;
	s5 =	simm.s32 @!p0 $0x1B8D  }
0xb1: {  	s4 =	sshll.u32 @!p0 s4, $0x11;
	s6 =	sadd.s32 @!p0 $0x11B8D, s6;
	_ =	swait.eq @!p0 [sflag:s5], $0x1  }
0xb2: {  	s4 =	sor.u32 @!p0 s4, s6;
	[sflag:s5] =	ssyncadd.s32 @!p0 $0xFFFFFFFF  }
0xb3: {  	s25 =	simm.s32 $0x1B8E;
	s24 =	sld [smem:$0x3FFE];
	[sflag:s4] =	ssyncadd.remote.s32 @!p0 $0x1  }
0xb4: {  	s26 =	simm.s32 $execute0_lowered;
	[smem:$0x3FD2] =	sst s25  }
0xb5: {  	s5 =	sshll.u32 s26, $0x1;
	_ =	strace $0x80000049;
	[dreg:$0x1] =	wrdreg $0xFFFFFFFF  }
0xb6: {  	s28 =	simm.s32 $_size_execute0_lowered;
	s3 =	sadd.s32 s3, s5;
	[dreg:$0x0] =	wrdreg $0x0  }
0xb7: {  	s5 =	sshll.u32 s28, $0x1;
	[dreg:$0x2] =	wrdreg s3  }
0xb8: {  	[dreg:$0x3] =	wrdreg s5  }
0xb9: {  	[dreg:$0x4] =	wrdreg $0xC0  }
0xba: {  	_ =	task [dreg:s22], $0x5FFFF  }
0xbb: {  	[dreg:$0x1] =	wrdreg $0xFFFFFFFF  }
0xbc: {  	[dreg:$0x0] =	wrdreg $0x60  }
0xbd: {  	[dreg:$0x2] =	wrdreg s24  }
0xbe: {  	[dreg:$0x3] =	wrdreg $0x0  }
0xbf: {  	[dreg:$0x4] =	wrdreg $0xA  }
0xc0: {  	_ =	task.clear_ibuf [dreg:s22], $0x5FFFF;
	_ =	strace $0x90000049  }
0xc1: {  	s29 =	simm.s32 $0xA;
	_ =	strace $0x8000004B  }
0xc2: {  	_ =	swait.ge [sflag:s29], $0x1  }
0xc3: {  	[sflag:s29] =	ssyncadd.s32 $0xFFFFFFFF  }
0xc4: {  	_ =	strace $0x9000004B  }
0xc5: {  	_ =	sfence  }
0xc6: {  	s30 =	sld [smem:$0x0];
	_ =	sdelay $0x2  }
0xc7: {  	s31 =	sshll.u32 s1, $0xD;
	s1 =	sshrl.u32 s1, $0x2  }
0xc8: {  	s4 =	sand.u32 $0x4000, s31;
	s1 =	sadd.s32 s1, s30  }
0xc9: {  	s0 =	sor.u32 s4, s0;
	s1 =	sshll.u32 s1, $0x11  }
0xca: {  	s0 =	sor.u32 s1, s0  }
0xcb: {  	s0 =	sadd.s32 $0x8F2B, s0  }
0xcc: {  	[sflag:s0] =	ssyncadd.remote.s32 $0x1  }
0xcd: {  	_ =	sfence.sel $0xFFFF  }
0xce: {  	[dreg:$0x0] =	wrdreg $0xFFFFFFFF;
	(pc) =	sbr.abs _section_cstart, $3  }
0xcf: {  	[dreg:$0x1] =	wrdreg $0xFFFFFFFF  }
0xd0: {  	_ =	task.clear_ibuf [dreg:s22], $0x2FFFF;
	_ =	strace $0x9FFFFFFF  }
0xd1: {  	(tm) =	ssettm $0x7FFFFFFF  }
tec
execute0_lowered:
.L_overlay_start_1:
0x0: {  	(tag) =	ssettag $0x1  }
0x1: {  	s4 =	rddreg [dreg:$0x0]  }
0x2: {  	s2 =	rddreg [dreg:$0x1]  }
0x3: {  	s0 =	rddreg [dreg:$0x2];
	s5 =	srdreg.scid  }
0x4: {  	s3 =	simm.s32 $0x0;
	s1 =	stileid.u32;
	s10 =	simm.s32 $0x1  }
0x5: {  	s11 =	simm.s32 $0x10000;
	s12 =	simm.s32 $0x80;
	s13 =	simm.s32 $0x12000  }
0x6: {  	s5 =	sand.u32 $0x1, s5;
	[smem:$0x7FF] =	sst s3;
	s7 =	sshll.u32 s1, $0x10  }
0x7: {  	s8 =	sshll.u32 s1, $0xB;
	s14 =	sshll.u32 s1, $0x6;
	s6 =	sshll.u32 s5, $0x14  }
0x8: {  	_ =	strace $0x8000004A;
	s8 =	sadd.s32 s8, s4;
	s9 =	ssub.s32 $0x2, s5  }
0x9: {  	s5 =	sshll.u32 s5, $0xF;
	s14 =	sor.u32 $0x1C01, s14;
	s6 =	sor.u32 s7, s6  }
0xa: {  	s31 =	sshrl.u32 s9, $0x1;
	s8 =	sadd.s32 s5, s8;
	s6 =	sshrl.u32 s6, $0x3  }
0xb: {  	s9 =	ssub.s32 s9, s31;
	s5 =	sadd.s32 $0x40C00, s8;
	s8 =	sadd.s32 $0x41000, s8  }
0xc: {  	s6 =	sadd.s32 s6, s4;
	s4 =	sadd.s32 s7, s2;
	s7 =	smax.u32 s9, $0x1  }
0xd: {  	v0 =	vimm.s32 $0x0;
	v1 =	vimm.s32 $0x1;
	s9 =	simm.s32 $0x12080;
	s6 =	sadd.s32 $0x50C00, s6;
	s15 =	sshrl.u32 s4, $0x3  }
.LBB2_1:
0xe: {  	s16 =	simm.s32 $0x40;
	s17 =	simm.s32 $0x0  }
.LBB2_2:
0xf: {  	p0 =	sne.s32 s16, $0x1FC0;
	[tilespmem:s17+$0x12080] =	vst v0;
	s17 =	smov.u32 s16;
	s16 =	sadd.s32 $0x40, s16  }
.Ltmp0:
0x10: {  	(pc) =	sbr.rel @p0 .LBB2_2-.Ltmp0, $2  }
0x11: {  	_ =	sdelay $0x2  }
0x12: {  	s17 =	sshra.s32 s17, $0x2  }
0x13: {  	[tilespmem:s17+$0x12080] =	vst v0  }
0x14: {  	[tilespmem:$0x12000] =	vst v1  }
0x15: {  	[tilespmem:$0x12010] =	vst v1  }
0x16: {  	[tilespmem:$0x12020] =	vst v1  }
0x17: {  	[tilespmem:$0x12030] =	vst v1  }
0x18: {  	[tilespmem:$0x12040] =	vst v1  }
0x19: {  	[tilespmem:$0x12050] =	vst v1  }
0x1a: {  	[tilespmem:$0x12060] =	vst v1  }
0x1b: {  	s16 =	sadd.s32 $0x0, s4;
	[tilespmem:$0x12070] =	vst v1  }
0x1c: {  	[spmem:s16] =	stream.linear.scatter [tilespmem:s9], [sflag:$0x1], $0x800, $0x38;
	[tilespmem:$0x12880] =	vst v63  }
0x1d: {  	s16 =	simm.s32 $0x2000;
	_ =	swait.ge [sflag:s10], $0x800  }
.LBB2_4:
0x1e: {  	s17 =	sshra.s32 s16, $0x2;
	[sflag:s10] =	ssyncset.done $0x0;
	p0 =	sne.s32 s16, $0x3E000  }
.Ltmp1:
0x1f: {  	s17 =	sadd.s32 s17, s4;
	[sflag:s10] =	ssyncadd.s32 $0xFFFFF800;
	(pc) =	sbr.rel @p0 .LBB2_4-.Ltmp1, $3  }
0x20: {  	[spmem:s17] =	stream.linear.scatter [tilespmem:s9], [sflag:$0x1], $0x800, $0x38;
	[tilespmem:$0x12880] =	vst v63  }
0x21: {  	s16 =	sadd.s32 $0x2000, s16;
	_ =	sdelay $0x1  }
0x22: {  	_ =	swait.ge [sflag:s10], $0x800  }
0x23: {  	[sflag:s10] =	ssyncset.done $0x0  }
0x24: {  	[sflag:s10] =	ssyncadd.s32 $0xFFFFF800  }
0x25: {  	s16 =	simm.s32 $0x0;
	[bflag:$0x0] =	sbarrier.arrive $0xFFFF  }
0x26: {  	[tilespmem:s11], [sflag:$0x1] =	stream.linear.gather [hbm4b:s5+s16], $0x2000, $0x38;
	[tilespmem:$0x12880] =	vst v63  }
0x27: {  	_ =	swait.ge [sflag:s10], $0x2000  }
0x28: {  	[sflag:s10] =	ssyncset.done $0x0  }
0x29: {  	s31 =	simm.s32 $0x10000;
	[sflag:s10] =	ssyncadd.s32 $0xFFFFE000  }
0x2a: {  	[spmem:s2] =	stream.indirect.scatter.add.s32 [tilespmem:s13], [sflag:$0x1], $0x1, s31, s12, $0xb8;
	[tilespmem:$0x12880] =	vst v63  }
0x2b: {  	s16 =	simm.s32 $0x200;
	_ =	swait.ge [sflag:s10], $0x80  }
.LBB2_6:
0x2c: {  	s17 =	sshra.s32 s16, $0x2;
	[sflag:s10] =	ssyncset.done $0x0;
	p0 =	sne.s32 s16, $0x7E00  }
.Ltmp2:
0x2d: {  	s17 =	sadd.s32 $0x10000, s17;
	[sflag:s10] =	ssyncadd.s32 $0xFFFFFF80;
	(pc) =	sbr.rel @p0 .LBB2_6-.Ltmp2, $3  }
0x2e: {  	[spmem:s2] =	stream.indirect.scatter.add.s32 [tilespmem:s13], [sflag:$0x1], $0x1, s17, s12, $0xb8;
	[tilespmem:$0x12880] =	vst v63  }
0x2f: {  	s16 =	sadd.s32 $0x200, s16;
	_ =	sdelay $0x1  }
0x30: {  	_ =	swait.ge [sflag:s10], $0x80  }
0x31: {  	[sflag:s10] =	ssyncset.done $0x0  }
0x32: {  	s16 =	simm.s32 $0x0;
	[sflag:s10] =	ssyncadd.s32 $0xFFFFFF80  }
0x33: {  	[tilespmem:s11], [sflag:$0x1] =	stream.linear.gather [hbm4b:s8+s16], $0x2000, $0x38;
	[tilespmem:$0x12880] =	vst v63  }
0x34: {  	_ =	swait.ge [sflag:s10], $0x2000  }
0x35: {  	[sflag:s10] =	ssyncset.done $0x0  }
0x36: {  	s31 =	simm.s32 $0x10000;
	[sflag:s10] =	ssyncadd.s32 $0xFFFFE000  }
0x37: {  	[spmem:s2] =	stream.indirect.scatter.add.s32 [tilespmem:s13], [sflag:$0x1], $0x1, s31, s12, $0xb8;
	[tilespmem:$0x12880] =	vst v63  }
0x38: {  	s16 =	simm.s32 $0x200;
	_ =	swait.ge [sflag:s10], $0x80  }
.LBB2_8:
0x39: {  	s17 =	sshra.s32 s16, $0x2;
	[sflag:s10] =	ssyncset.done $0x0;
	p0 =	sne.s32 s16, $0x7E00  }
.Ltmp3:
0x3a: {  	s17 =	sadd.s32 $0x10000, s17;
	[sflag:s10] =	ssyncadd.s32 $0xFFFFFF80;
	(pc) =	sbr.rel @p0 .LBB2_8-.Ltmp3, $3  }
0x3b: {  	[spmem:s2] =	stream.indirect.scatter.add.s32 [tilespmem:s13], [sflag:$0x1], $0x1, s17, s12, $0xb8;
	[tilespmem:$0x12880] =	vst v63  }
0x3c: {  	s16 =	sadd.s32 $0x200, s16;
	_ =	sdelay $0x1  }
0x3d: {  	_ =	swait.ge [sflag:s10], $0x80  }
0x3e: {  	[sflag:s10] =	ssyncset.done $0x0;
	s3 =	sadd.s32 $0x1, s3  }
0x3f: {  	[sflag:s10] =	ssyncadd.s32 $0xFFFFFF80;
	p0 =	sne.s32 s3, s7  }
.Ltmp4:
0x40: {  	[bflag:$0x0] =	sbarrier.arrive $0xFFFF;
	(pc) =	sbr.rel @p0 .LBB2_1-.Ltmp4, $4  }
0x41: {  	[hbm:s6], [sflag:s14] =	dma.local [spmem:s15], $0x2000  }
0x42: {  	_ =	swait.ge [sflag:s10], $0x2000  }
0x43: {  	[sflag:s10] =	ssyncset.done $0x0  }
0x44: {  	[sflag:s10] =	ssyncadd.s32 $0xFFFFE000  }
0x45: {  	_ =	sfence.sel $0x180000  }
0x46: {  	[bflag:$0x0] =	sbarrier.arrive $0xFFFF  }
0x47: {  	p0 =	sne.s32 s1, $0x0;
	_ =	strace $0x9000004A  }
0x48: {  	s0 =	sadd.s32 @!p0 $0x100000, s0;
	[bflag:$0x2] =	sbarrier.arrive $0xFFFF  }
0x49: {  	[sflag:s0] =	ssyncadd.tile.s32 @!p0 $0x1;
	_ =	shalt  }
.Lfunc_end2:
_tile_overlayer_lowered:
.L_overlay_start_2:
0x4a: {  	(tag) =	ssettag $0x2  }
0x4b: {  	s0 =	rddreg [dreg:$0x0];
	s2 =	stileid.u32  }
0x4c: {  	s1 =	rddreg [dreg:$0x1];
	p0 =	sne.s32 s2, $0x0  }
0x4d: {  	s3 =	rddreg [dreg:$0x2];
	[bflag:$0x3] =	sbarrier.arrive $0xFFFF;
	s2 =	simm.s32 @!p0 $0x1C01  }
0x4e: {  	[timem:s3], [sflag:s2] =	dma.local @!p0 [hbm:s0], s1  }
0x4f: {  	s0 =	simm.s32 @!p0 $0x1  }
0x50: {  	_ =	swait.ge @!p0 [sflag:s0], s1  }
0x51: {  	s1 =	ssub.s32 @!p0 $0x0, s1;
	[sflag:s0] =	ssyncset.done @!p0 $0x0  }
0x52: {  	[sflag:s0] =	ssyncadd.s32 @!p0 s1  }
0x53: {  	[bflag:$0x3] =	sbarrier.arrive $0xFFFF  }
0x54: {  	_ =	shalt  }

// kernel: kernel.8.cloned.1.call-start
scs
__scs_entry_jumppad:
0x0: {  	(pc) =	sbr.rel $0x88, $3  }
0x1: {  	(tag) =	ssettag $0x0;
	lr =	simm.s32 $0x1  }
0x2: {  	[smem:$0x3F9D] =	sst lr;
	_ =	strace $0xD0000000  }
0x3: {  	_ = 	snop  }
0x4: {  	_ = 	snop  }
0x5: {  	_ = 	snop  }
0x6: {  	_ = 	snop  }
0x7: {  	_ = 	snop  }
__scs_overlays_trampoline_lowered:
0x8: {  	[smem:$0x3FAC] =	sst s0  }
0x9: {  	[smem:$0x3FAD] =	sst s1  }
0xa: {  	[smem:$0x3FAE] =	sst s2  }
0xb: {  	[smem:$0x3FAF] =	sst s3  }
0xc: {  	[smem:$0x3FB0] =	sst s4  }
0xd: {  	[smem:$0x3FB1] =	sst s5  }
0xe: {  	[smem:$0x3FB2] =	sst s6  }
0xf: {  	[smem:$0x3FB3] =	sst s7  }
0x10: {  	[smem:$0x3FB4] =	sst s8  }
0x11: {  	[smem:$0x3FB5] =	sst s9;
	s0 =	simm.s32 @!p0 $0x0  }
0x12: {  	s1 =	sld [smem:$0x3F9B];
	s0 =	simm.s32 @p0 $0x1  }
0x13: {  	[smem:$0x3FB6] =	sst s0;
	s0 =	simm.s32 @!p1 $0x0  }
0x14: {  	s2 =	sld [smem:$0x3F9A];
	s0 =	simm.s32 @p1 $0x1  }
0x15: {  	[smem:$0x3FB7] =	sst s0;
	s0 =	simm.s32 @!p2 $0x0  }
0x16: {  	s3 =	sld [smem:$0x3FDB];
	s0 =	simm.s32 @p2 $0x1  }
0x17: {  	s4 =	simm.s32 $0x1BF5;
	[smem:$0x3FB9] =	sst s0  }
0x18: {  	s0 =	sld [smem:$0x3F9C];
	_ =	swait.ge [sflag:s4], $0x0  }
0x19: {  	s7 =	sld [smem:$0x3F9D]  }
0x1a: {  	s8 =	sadd.s32 $0xFFFFE003, lr  }
0x1b: {  	s9 =	sadd.s32 $0xFFFFFEF7, lr;
	s5 =	simm.s32 $0xFFFFFFFF;
	p2 =	slt.u32 s8, $0xFFFFF086  }
0x1c: {  	p1 =	slt.u32 s9, $0xF7A;
	s5 =	simm.s32 @!p2 $0x0  }
0x1d: {  	s5 =	simm.s32 @p1 $0x1;
	p0 =	seq.s32 s7, s2  }
0x1e: {  	s7 =	smul.u32 @!p0 $0xF7A, s2;
	p2 =	seq.s32 @!p0 s5, $0x0  }
0x1f: {  	s9 =	smul.u32 $0xF7A, s1;
	s8 =	simm.s32 @!p0 $0x1BF5;
	p2 =	por !p2, p0  }
0x20: {  	[sflag:s8] =	ssyncset.s32 @!p0 $0xFFFFF086;
	s6 =	sadd.s32 @!p0 s3, s7;
	s7 =	simm.s32 @!p0 $0x108  }
0x21: {  	s3 =	sadd.s32 s3, s9;
	s6 =	sadd.s32 @!p0 $0x88, s6;
	s7 =	simm.s32 @p2 $0x1082  }
0x22: {  	[simem:s7], [sflag:s8] =	dma.local @!p0 [hbm:s6], $0xF7A  }
0x23: {  	s9 =	sor.u32 $0xD0000000, s2;
	s6 =	simm.s32 $0x108;
	_ =	swait.ge @!p0 [sflag:s8], $0x0  }
0x24: {  	s3 =	sadd.s32 $0x88, s3;
	s6 =	simm.s32 @!p1 $0x1082;
	[sflag:s4] =	ssyncset.s32 $0xFFFFF086  }
0x25: {  	[simem:s6], [sflag:s4] =	dma.local [hbm:s3], $0xF7A  }
0x26: {  	[smem:$0x3F9D] =	sst s1;
	(tag) =	ssettag s2;
	_ =	strace s9  }
0x27: {  	s1 =	sld [smem:$0x3FAD]  }
0x28: {  	s2 =	sld [smem:$0x3FAE]  }
0x29: {  	s4 =	sld [smem:$0x3FB0]  }
0x2a: {  	p0 =	seq.s32 s5, $0x0;
	s5 =	sld [smem:$0x3FB1]  }
0x2b: {  	s6 =	sld [smem:$0x3FB2]  }
0x2c: {  	s7 =	sld [smem:$0x3FB3]  }
0x2d: {  	s3 =	simm.s32 $0x108;
	s8 =	sld [smem:$0x3FB4]  }
0x2e: {  	s3 =	simm.s32 @!p0 $0x1082;
	s9 =	sld [smem:$0x3FB5]  }
0x2f: {  	lr =	sadd.s32 s0, s3;
	s0 =	sld [smem:$0x3FAC]  }
0x30: {  	s3 =	sld [smem:$0x3FAF]  }
0x31: {  	[smem:$0x3FB8] =	sst s10  }
0x32: {  	s10 =	sld [smem:$0x3FB6];
	_ =	sdelay $0x3  }
0x33: {  	p0 =	seq.s32 s10, $0x1;
	s10 =	sld [smem:$0x3FB8];
	_ =	sdelay $0x3  }
0x34: {  	[smem:$0x3FB8] =	sst s10  }
0x35: {  	s10 =	sld [smem:$0x3FB7];
	_ =	sdelay $0x3  }
0x36: {  	p1 =	seq.s32 s10, $0x1;
	s10 =	sld [smem:$0x3FB8];
	_ =	sdelay $0x3  }
0x37: {  	[smem:$0x3FB8] =	sst s10  }
0x38: {  	s10 =	sld [smem:$0x3FB9]  }
0x39: {  	_ = 	snop;
	(pc) =	sbr.ind lr, $3  }
0x3a: {  	_ = 	snop  }
0x3b: {  	_ = 	snop  }
0x3c: {  	p2 =	seq.s32 s10, $0x1;
	s10 =	sld [smem:$0x3FB8]  }
0x3d: {  	_ =	shalt  }
0x3e: {  	_ =	shalt  }
0x3f: {  	_ =	shalt  }
0x40: {  	_ =	shalt  }
0x41: {  	_ =	shalt  }
0x42: {  	_ =	shalt  }
0x43: {  	_ =	shalt  }
0x44: {  	_ =	shalt  }
0x45: {  	_ =	shalt  }
0x46: {  	_ =	shalt  }
0x47: {  	_ =	shalt  }
0x48: {  	_ =	shalt  }
0x49: {  	_ =	shalt  }
0x4a: {  	_ =	shalt  }
0x4b: {  	_ =	shalt  }
0x4c: {  	_ =	shalt  }
0x4d: {  	_ =	shalt  }
0x4e: {  	_ =	shalt  }
0x4f: {  	_ =	shalt  }
0x50: {  	_ =	shalt  }
0x51: {  	_ =	shalt  }
0x52: {  	_ =	shalt  }
0x53: {  	_ =	shalt  }
0x54: {  	_ =	shalt  }
0x55: {  	_ =	shalt  }
0x56: {  	_ =	shalt  }
0x57: {  	_ =	shalt  }
0x58: {  	_ =	shalt  }
0x59: {  	_ =	shalt  }
0x5a: {  	_ =	shalt  }
0x5b: {  	_ =	shalt  }
0x5c: {  	_ =	shalt  }
0x5d: {  	_ =	shalt  }
0x5e: {  	_ =	shalt  }
0x5f: {  	_ =	shalt  }
0x60: {  	_ =	shalt  }
0x61: {  	_ =	shalt  }
0x62: {  	_ =	shalt  }
0x63: {  	_ =	shalt  }
0x64: {  	_ =	shalt  }
0x65: {  	_ =	shalt  }
0x66: {  	_ =	shalt  }
0x67: {  	_ =	shalt  }
0x68: {  	_ =	shalt  }
0x69: {  	_ =	shalt  }
0x6a: {  	_ =	shalt  }
0x6b: {  	_ =	shalt  }
0x6c: {  	_ =	shalt  }
0x6d: {  	_ =	shalt  }
0x6e: {  	_ =	shalt  }
0x6f: {  	_ =	shalt  }
0x70: {  	_ =	shalt  }
0x71: {  	_ =	shalt  }
0x72: {  	_ =	shalt  }
0x73: {  	_ =	shalt  }
0x74: {  	_ =	shalt  }
0x75: {  	_ =	shalt  }
0x76: {  	_ =	shalt  }
0x77: {  	_ =	shalt  }
0x78: {  	_ =	shalt  }
0x79: {  	_ =	shalt  }
0x7a: {  	_ =	shalt  }
0x7b: {  	_ =	shalt  }
0x7c: {  	_ =	shalt  }
0x7d: {  	_ =	shalt  }
0x7e: {  	_ =	shalt  }
0x7f: {  	_ =	shalt  }
0x80: {  	_ =	shalt  }
0x81: {  	_ =	shalt  }
0x82: {  	_ =	shalt  }
0x83: {  	_ =	shalt  }
0x84: {  	_ =	shalt  }
0x85: {  	_ =	shalt  }
0x86: {  	_ =	shalt  }
0x87: {  	_ =	shalt  }
.Lfunc_end0:
.L_simem_size_0:
called_computation_lowered:
.L_overlay_start_0:
0x88: {  	s2 =	sld [smem:$0x3FD9]  }
0x89: {  	s3 =	sld [smem:$0x3FFE];
	_ =	sdelay $0x1  }
0x8a: {  	s1 =	srdreg.scid  }
0x8b: {  	s0 =	sand.u32 $0x1, s1  }
0x8c: {  	s14 =	sshll.u32 s0, $0xA;
	s2 =	sadd.s32 s3, s2  }
0x8d: {  	s2 =	sadd.s32 s2, s14  }
0x8e: {  	[smem:$0x3FC4] =	sst s2  }
0x8f: {  	_ = 	snop  }
0x90: {  	s2 =	sld [smem:$0x3FD0];
	_ =	sdelay $0x2  }
0x91: {  	s15 =	simm.s32 $0xB;
	s4 =	simm.s32 $0x10  }
0x92: {  	[smem:s4], [sflag:s15] =	dma.local [hbm:s2], $0x1  }
0x93: {  	_ =	swait.eq [sflag:s15], $0x1  }
0x94: {  	[sflag:s15] =	ssyncset.done $0x0  }
0x95: {  	[sflag:s15] =	ssyncadd.s32 $0xFFFFFFFF  }
0x96: {  	s16 =	sld [smem:$0x10];
	(tm) =	ssettm $0x1  }
0x97: {  	s17 =	sld [smem:$0x3FFB];
	_ =	sdelay $0x3  }
0x98: {  	_ =	strace s17  }
0x99: {  	s3 =	sld [smem:$0x3FFC];
	_ =	sdelay $0x3  }
0x9a: {  	_ =	strace s3  }
0x9b: {  	s3 =	sld [smem:$0x3FFD];
	_ =	sdelay $0x3  }
0x9c: {  	_ =	strace s3  }
0x9d: {  	_ =	strace $0x8FFFFFFF  }
0x9e: {  	s18 =	sld [smem:$0x3FDB];
	_ =	sdelay $0x1  }
0x9f: {  	s19 =	simm.s32 $_scs_section_size  }
0xa0: {  	s5 =	simm.s32 $_size__tile_overlayer_lowered;
	s6 =	simm.s32 $_tile_overlayer_lowered  }
0xa1: {  	s22 =	simm.s32 $0x1BFF;
	s21 =	sshll.u32 s6, $0x1;
	s3 =	sadd.s32 s19, s18  }
0xa2: {  	s7 =	simm.s32 $0x0;
	s20 =	sshll.u32 s5, $0x1;
	s5 =	sadd.s32 s21, s3  }
0xa3: {  	[timem:s7], [sflag:s22] =	dma.local [hbm:s5], s20  }
0xa4: {  	_ =	swait.ge [sflag:s22], s20  }
0xa5: {  	s4 =	ssub.s32 $0x0, s20;
	[sflag:s22] =	ssyncset.done $0x0  }
0xa6: {  	[sflag:s22] =	ssyncadd.s32 s4;
	_ =	sdelay $0x1  }
0xa7: {  	s23 =	simm.s32 $0x1B8B  }
0xa8: {  	_ =	swait.ge [sflag:s23], $0x1  }
0xa9: {  	[sflag:s23] =	ssyncset.done $0x0  }
0xaa: {  	s25 =	simm.s32 $0x1B8E;
	s24 =	sld [smem:$0x3FFE];
	[sflag:s23] =	ssyncadd.s32 $0xFFFFFFFF  }
0xab: {  	s26 =	simm.s32 $execute0_lowered;
	[smem:$0x3FD2] =	sst s25  }
0xac: {  	s5 =	sshll.u32 s26, $0x1;
	_ =	strace $0x80000046;
	[dreg:$0x1] =	wrdreg $0xFFFFFFFF  }
0xad: {  	s28 =	simm.s32 $_size_execute0_lowered;
	s3 =	sadd.s32 s3, s5;
	[dreg:$0x0] =	wrdreg $0x0  }
0xae: {  	s5 =	sshll.u32 s28, $0x1;
	[dreg:$0x2] =	wrdreg s3  }
0xaf: {  	[dreg:$0x3] =	wrdreg s5  }
0xb0: {  	[dreg:$0x4] =	wrdreg $0xC0  }
0xb1: {  	_ =	task [dreg:s7], $0x5FFFF  }
0xb2: {  	[dreg:$0x1] =	wrdreg $0xFFFFFFFF  }
0xb3: {  	[dreg:$0x0] =	wrdreg $0x60  }
0xb4: {  	[dreg:$0x2] =	wrdreg s16  }
0xb5: {  	[dreg:$0x3] =	wrdreg s24  }
0xb6: {  	[dreg:$0x4] =	wrdreg $0x0  }
0xb7: {  	[dreg:$0x5] =	wrdreg $0x9  }
0xb8: {  	_ =	task.clear_ibuf [dreg:s7], $0x6FFFF;
	_ =	strace $0x90000046  }
0xb9: {  	s29 =	simm.s32 $0x9;
	_ =	strace $0x80000048  }
0xba: {  	_ =	swait.ge [sflag:s29], $0x1  }
0xbb: {  	[sflag:s29] =	ssyncadd.s32 $0xFFFFFFFF  }
0xbc: {  	_ =	strace $0x90000048  }
0xbd: {  	_ =	sfence  }
0xbe: {  	s30 =	sld [smem:$0x0];
	_ =	sdelay $0x2  }
0xbf: {  	s31 =	sshll.u32 s1, $0xD;
	s1 =	sshrl.u32 s1, $0x2  }
0xc0: {  	s3 =	sand.u32 $0x4000, s31;
	s1 =	sadd.s32 s1, s30  }
0xc1: {  	s0 =	sor.u32 s3, s0;
	s1 =	sshll.u32 s1, $0x11  }
0xc2: {  	s0 =	sor.u32 s1, s0  }
0xc3: {  	s0 =	sadd.s32 $0x8F2B, s0  }
0xc4: {  	[sflag:s0] =	ssyncadd.remote.s32 $0x1  }
0xc5: {  	_ =	sfence.sel $0xFFFF  }
0xc6: {  	[dreg:$0x0] =	wrdreg $0xFFFFFFFF;
	(pc) =	sbr.abs _section_cstart, $3  }
0xc7: {  	[dreg:$0x1] =	wrdreg $0xFFFFFFFF  }
0xc8: {  	_ =	task.clear_ibuf [dreg:s7], $0x2FFFF;
	_ =	strace $0x9FFFFFFF  }
0xc9: {  	(tm) =	ssettm $0x7FFFFFFF  }
tec
execute0_lowered:
.L_overlay_start_1:
0x0: {  	(tag) =	ssettag $0x1  }
0x1: {  	s5 =	rddreg [dreg:$0x0]  }
0x2: {  	s4 =	rddreg [dreg:$0x1]  }
0x3: {  	s2 =	rddreg [dreg:$0x2];
	s3 =	srdreg.scid  }
0x4: {  	s0 =	rddreg [dreg:$0x3];
	s1 =	stileid.u32;
	s11 =	simm.s32 $0x10000  }
0x5: {  	s12 =	simm.s32 $0x80;
	s13 =	simm.s32 $0x12000;
	s6 =	sand.u32 $0x1, s3  }
0x6: {  	s3 =	simm.s32 $0x0;
	s8 =	sshll.u32 s1, $0x10;
	s31 =	sshll.u32 s1, $0xB  }
0x7: {  	s14 =	sshll.u32 s1, $0x6;
	s7 =	sshll.u32 s6, $0x14;
	[smem:$0x7FF] =	sst s3  }
0x8: {  	s9 =	ssub.s32 $0x2, s6;
	s6 =	sshll.u32 s6, $0xF;
	s5 =	sadd.s32 s5, s31  }
0x9: {  	s14 =	sor.u32 $0x1C01, s14;
	s7 =	sor.u32 s8, s7;
	_ =	strace $0x80000047  }
0xa: {  	s10 =	sshrl.u32 s9, $0x1;
	s5 =	sadd.s32 s6, s5;
	s7 =	sshrl.u32 s7, $0x3  }
0xb: {  	s9 =	ssub.s32 s9, s10;
	s10 =	simm.s32 $0x1;
	s7 =	sadd.s32 s7, s4  }
0xc: {  	s4 =	sadd.s32 s8, s2;
	s8 =	sadd.s32 $0x400, s5;
	s6 =	sadd.s32 $0xC00, s7  }
0xd: {  	v0 =	vimm.s32 $0x0;
	v1 =	vimm.s32 $0x1;
	s7 =	smax.u32 s9, $0x1;
	s9 =	simm.s32 $0x12080;
	s15 =	sshrl.u32 s4, $0x3  }
.LBB2_1:
0xe: {  	s16 =	simm.s32 $0x40;
	s17 =	simm.s32 $0x0  }
.LBB2_2:
0xf: {  	p0 =	sne.s32 s16, $0x1FC0;
	[tilespmem:s17+$0x12080] =	vst v0;
	s17 =	smov.u32 s16;
	s16 =	sadd.s32 $0x40, s16  }
.Ltmp0:
0x10: {  	(pc) =	sbr.rel @p0 .LBB2_2-.Ltmp0, $2  }
0x11: {  	_ =	sdelay $0x2  }
0x12: {  	s17 =	sshra.s32 s17, $0x2  }
0x13: {  	[tilespmem:s17+$0x12080] =	vst v0  }
0x14: {  	[tilespmem:$0x12000] =	vst v1  }
0x15: {  	[tilespmem:$0x12010] =	vst v1  }
0x16: {  	[tilespmem:$0x12020] =	vst v1  }
0x17: {  	[tilespmem:$0x12030] =	vst v1  }
0x18: {  	[tilespmem:$0x12040] =	vst v1  }
0x19: {  	[tilespmem:$0x12050] =	vst v1  }
0x1a: {  	[tilespmem:$0x12060] =	vst v1  }
0x1b: {  	s16 =	sadd.s32 $0x0, s4;
	[tilespmem:$0x12070] =	vst v1  }
0x1c: {  	[spmem:s16] =	stream.linear.scatter [tilespmem:s9], [sflag:$0x1], $0x800, $0x38;
	[tilespmem:$0x12880] =	vst v63  }
0x1d: {  	s16 =	simm.s32 $0x2000;
	_ =	swait.ge [sflag:s10], $0x800  }
.LBB2_4:
0x1e: {  	s17 =	sshra.s32 s16, $0x2;
	[sflag:s10] =	ssyncset.done $0x0;
	p0 =	sne.s32 s16, $0x3E000  }
.Ltmp1:
0x1f: {  	s17 =	sadd.s32 s17, s4;
	[sflag:s10] =	ssyncadd.s32 $0xFFFFF800;
	(pc) =	sbr.rel @p0 .LBB2_4-.Ltmp1, $3  }
0x20: {  	[spmem:s17] =	stream.linear.scatter [tilespmem:s9], [sflag:$0x1], $0x800, $0x38;
	[tilespmem:$0x12880] =	vst v63  }
0x21: {  	s16 =	sadd.s32 $0x2000, s16;
	_ =	sdelay $0x1  }
0x22: {  	_ =	swait.ge [sflag:s10], $0x800  }
0x23: {  	[sflag:s10] =	ssyncset.done $0x0  }
0x24: {  	[sflag:s10] =	ssyncadd.s32 $0xFFFFF800  }
0x25: {  	s16 =	simm.s32 $0x0;
	[bflag:$0x0] =	sbarrier.arrive $0xFFFF  }
0x26: {  	[tilespmem:s11], [sflag:$0x1] =	stream.linear.gather [hbm4b:s5+s16], $0x2000, $0x38;
	[tilespmem:$0x12880] =	vst v63  }
0x27: {  	_ =	swait.ge [sflag:s10], $0x2000  }
0x28: {  	[sflag:s10] =	ssyncset.done $0x0  }
0x29: {  	s31 =	simm.s32 $0x10000;
	[sflag:s10] =	ssyncadd.s32 $0xFFFFE000  }
0x2a: {  	[spmem:s2] =	stream.indirect.scatter.add.s32 [tilespmem:s13], [sflag:$0x1], $0x1, s31, s12, $0xb8;
	[tilespmem:$0x12880] =	vst v63  }
0x2b: {  	s16 =	simm.s32 $0x200;
	_ =	swait.ge [sflag:s10], $0x80  }
.LBB2_6:
0x2c: {  	s17 =	sshra.s32 s16, $0x2;
	[sflag:s10] =	ssyncset.done $0x0;
	p0 =	sne.s32 s16, $0x7E00  }
.Ltmp2:
0x2d: {  	s17 =	sadd.s32 $0x10000, s17;
	[sflag:s10] =	ssyncadd.s32 $0xFFFFFF80;
	(pc) =	sbr.rel @p0 .LBB2_6-.Ltmp2, $3  }
0x2e: {  	[spmem:s2] =	stream.indirect.scatter.add.s32 [tilespmem:s13], [sflag:$0x1], $0x1, s17, s12, $0xb8;
	[tilespmem:$0x12880] =	vst v63  }
0x2f: {  	s16 =	sadd.s32 $0x200, s16;
	_ =	sdelay $0x1  }
0x30: {  	_ =	swait.ge [sflag:s10], $0x80  }
0x31: {  	[sflag:s10] =	ssyncset.done $0x0  }
0x32: {  	s16 =	simm.s32 $0x0;
	[sflag:s10] =	ssyncadd.s32 $0xFFFFFF80  }
0x33: {  	[tilespmem:s11], [sflag:$0x1] =	stream.linear.gather [hbm4b:s8+s16], $0x2000, $0x38;
	[tilespmem:$0x12880] =	vst v63  }
0x34: {  	_ =	swait.ge [sflag:s10], $0x2000  }
0x35: {  	[sflag:s10] =	ssyncset.done $0x0  }
0x36: {  	s31 =	simm.s32 $0x10000;
	[sflag:s10] =	ssyncadd.s32 $0xFFFFE000  }
0x37: {  	[spmem:s2] =	stream.indirect.scatter.add.s32 [tilespmem:s13], [sflag:$0x1], $0x1, s31, s12, $0xb8;
	[tilespmem:$0x12880] =	vst v63  }
0x38: {  	s16 =	simm.s32 $0x200;
	_ =	swait.ge [sflag:s10], $0x80  }
.LBB2_8:
0x39: {  	s17 =	sshra.s32 s16, $0x2;
	[sflag:s10] =	ssyncset.done $0x0;
	p0 =	sne.s32 s16, $0x7E00  }
.Ltmp3:
0x3a: {  	s17 =	sadd.s32 $0x10000, s17;
	[sflag:s10] =	ssyncadd.s32 $0xFFFFFF80;
	(pc) =	sbr.rel @p0 .LBB2_8-.Ltmp3, $3  }
0x3b: {  	[spmem:s2] =	stream.indirect.scatter.add.s32 [tilespmem:s13], [sflag:$0x1], $0x1, s17, s12, $0xb8;
	[tilespmem:$0x12880] =	vst v63  }
0x3c: {  	s16 =	sadd.s32 $0x200, s16;
	_ =	sdelay $0x1  }
0x3d: {  	_ =	swait.ge [sflag:s10], $0x80  }
0x3e: {  	[sflag:s10] =	ssyncset.done $0x0;
	s3 =	sadd.s32 $0x1, s3  }
0x3f: {  	[sflag:s10] =	ssyncadd.s32 $0xFFFFFF80;
	p0 =	sne.s32 s3, s7  }
.Ltmp4:
0x40: {  	[bflag:$0x0] =	sbarrier.arrive $0xFFFF;
	(pc) =	sbr.rel @p0 .LBB2_1-.Ltmp4, $4  }
0x41: {  	[hbm:s6], [sflag:s14] =	dma.local [spmem:s15], $0x2000  }
0x42: {  	_ =	swait.ge [sflag:s10], $0x2000  }
0x43: {  	[sflag:s10] =	ssyncset.done $0x0  }
0x44: {  	[sflag:s10] =	ssyncadd.s32 $0xFFFFE000  }
0x45: {  	_ =	sfence.sel $0x180000  }
0x46: {  	[bflag:$0x0] =	sbarrier.arrive $0xFFFF  }
0x47: {  	p0 =	sne.s32 s1, $0x0;
	_ =	strace $0x90000047  }
0x48: {  	s0 =	sadd.s32 @!p0 $0x100000, s0;
	[bflag:$0x2] =	sbarrier.arrive $0xFFFF  }
0x49: {  	[sflag:s0] =	ssyncadd.tile.s32 @!p0 $0x1;
	_ =	shalt  }
.Lfunc_end2:
_tile_overlayer_lowered:
.L_overlay_start_2:
0x4a: {  	(tag) =	ssettag $0x2  }
0x4b: {  	s0 =	rddreg [dreg:$0x0];
	s2 =	stileid.u32  }
0x4c: {  	s1 =	rddreg [dreg:$0x1];
	p0 =	sne.s32 s2, $0x0  }
0x4d: {  	s3 =	rddreg [dreg:$0x2];
	[bflag:$0x3] =	sbarrier.arrive $0xFFFF;
	s2 =	simm.s32 @!p0 $0x1C01  }
0x4e: {  	[timem:s3], [sflag:s2] =	dma.local @!p0 [hbm:s0], s1  }
0x4f: {  	s0 =	simm.s32 @!p0 $0x1  }
0x50: {  	_ =	swait.ge @!p0 [sflag:s0], s1  }
0x51: {  	s1 =	ssub.s32 @!p0 $0x0, s1;
	[sflag:s0] =	ssyncset.done @!p0 $0x0  }
0x52: {  	[sflag:s0] =	ssyncadd.s32 @!p0 s1  }
0x53: {  	[bflag:$0x3] =	sbarrier.arrive $0xFFFF  }
0x54: {  	_ =	shalt  }

</sc_bundles>
